<compile_context>
chip_gen: v7x
topology: tpu7x:2x2x1
jax: 0.10.2.dev20260603
libtpu: 0.0.44.dev20260713+nightly
codegen_flags: <defaults>
</compile_context>

<pallas_src>
import jax
import jax.numpy as jnp
from jax import lax
from jax.experimental import pallas as pl
from jax.experimental.pallas import tpu as pltpu
from jax.experimental.pallas import tpu_sc as plsc

B = 50
N = 2000
K = 50
NB = N // 16
NW = 32
SLOTS = 128
MIN_RADIUS = 15.0
INF = float("inf")


def _gather(ref, idx):
    return plsc.load_gather(ref, [idx])


def _scatter(ref, idx, x, mask):
    plsc.store_scatter(ref, [idx], x, mask=mask)


def _copy(src, dst):
    pltpu.sync_copy(src, dst)


def _worker_id():
    return lax.axis_index("s") * 2 + lax.axis_index("c")


def _sc_body(x_hbm, y_hbm, z_hbm, cidx_hbm, s_out, sk_out,
             xv, yv, zv, sv, candv, cidxv, skv, sem):
    wid = _worker_id()
    _copy(cidx_hbm, cidxv)
    lane = lax.iota(jnp.int32, 16)
    lanebase = lane * SLOTS
    zero16 = jnp.zeros((16,), jnp.int32)
    one16 = jnp.ones((16,), jnp.int32)
    infv = jnp.full((16,), INF, jnp.float32)

    def start_copies(b):
        cp1 = pltpu.make_async_copy(x_hbm.at[b], xv, sem)
        cp2 = pltpu.make_async_copy(y_hbm.at[b], yv, sem)
        cp3 = pltpu.make_async_copy(z_hbm.at[b], zv, sem)
        cp1.start(); cp2.start(); cp3.start()

    def do_graph(b, prefetch_next):
        cp1 = pltpu.make_async_copy(x_hbm.at[b], xv, sem)
        cp2 = pltpu.make_async_copy(y_hbm.at[b], yv, sem)
        cp3 = pltpu.make_async_copy(z_hbm.at[b], zv, sem)
        cp1.wait(); cp2.wait(); cp3.wait()
        bvec = jnp.full((16,), b, jnp.int32)
        cidx16 = _gather(cidxv, bvec)
        cx = _gather(xv, cidx16)
        cy = _gather(yv, cidx16)
        cz = _gather(zv, cidx16)

        def dist_body(i, ms):
            ms = list(ms)
            for u in range(5):
                j = i * 5 + u
                dx = xv[pl.ds(j * 16, 16)] - cx
                dy = yv[pl.ds(j * 16, 16)] - cy
                dz = zv[pl.ds(j * 16, 16)] - cz
                s = ((dx * dx + dy * dy) + dz * dz) + 1e-12
                sv[pl.ds(j * 16, 16)] = s
                for t in range(7, 0, -1):
                    ms[t] = jnp.minimum(ms[t], jnp.maximum(ms[t - 1], s))
                ms[0] = jnp.minimum(ms[0], s)
            return tuple(ms)

        ms = lax.fori_loop(0, NB // 5, dist_body, (infv,) * 8)
        @pl.when(prefetch_next)
        def _():
            start_copies(b + NW)

        us = [lax.bitcast_convert_type(m, jnp.int32) for m in ms]
        kvec = jnp.full((16,), K, jnp.int32)

        def t1_body(i, cbits):
            cand = cbits | lax.shift_left(
                jnp.full((16,), 1, jnp.int32),
                jnp.full((16,), 30, jnp.int32) - i)
            total = zero16
            for u in us:
                total = total + plsc.all_reduce_population_count(u < cand)
            return jnp.where(total >= kvec, cbits, cand)

        t1bits = lax.fori_loop(0, 31, t1_body, zero16)
        t1v = lax.bitcast_convert_type(t1bits, jnp.float32)

        def count_body(i, carry):
            cless, cleq = carry
            for u in range(5):
                s = sv[pl.ds((i * 5 + u) * 16, 16)]
                cless = cless + plsc.all_reduce_population_count(s < t1v)
                cleq = cleq + plsc.all_reduce_population_count(s <= t1v)
            return (cless, cleq)

        cless, cleq = lax.fori_loop(
            0, NB // 5, count_body, (zero16, zero16))
        verified = jnp.logical_and(cless[0] <= K - 1, cleq[0] >= K)

        def slow_path():
            def fill_body(i, carry):
                for u in range(8):
                    candv[pl.ds((i * 8 + u) * 16, 16)] = infv
                return carry

            lax.fori_loop(0, SLOTS // 8, fill_body, 0)

            def compact_body(i, cnt):
                ss = [sv[pl.ds((i * 5 + u) * 16, 16)] for u in range(5)]
                les = [s <= t1v for s in ss]
                incs = [jnp.where(m, one16, zero16) for m in les]
                offs = [cnt]
                for u in range(4):
                    offs.append(offs[-1] + incs[u])
                for u in range(5):
                    _scatter(candv, lanebase + offs[u], ss[u], les[u])
                return offs[4] + incs[4]

            cnt = lax.fori_loop(0, NB // 5, compact_body, zero16)
            ns2 = (lax.reduce_max(cnt, axes=(0,)) + 1) // 2

            def bit_body(i, cbits):
                cand = cbits | lax.shift_left(
                    jnp.full((16,), 1, jnp.int32),
                    jnp.full((16,), 30, jnp.int32) - i)

                def cnt_body(j, acc):
                    u0 = lax.bitcast_convert_type(
                        _gather(candv, lanebase + 2 * j), jnp.int32)
                    u1 = lax.bitcast_convert_type(
                        _gather(candv, lanebase + 2 * j + 1), jnp.int32)
                    c0 = plsc.all_reduce_population_count(u0 < cand)
                    c1 = plsc.all_reduce_population_count(u1 < cand)
                    return acc + c0 + c1

                total = lax.fori_loop(0, ns2, cnt_body, zero16)
                return jnp.where(total >= kvec, cbits, cand)

            return lax.fori_loop(0, 31, bit_body, zero16)

        kbits = lax.cond(verified, lambda: t1bits, slow_path)
        skv[...] = lax.bitcast_convert_type(kbits, jnp.float32)
        _copy(sv, s_out.at[b])
        _copy(skv, sk_out.at[b])

    ngraphs = 1 + jnp.where(wid + NW < B, 1, 0)
    start_copies(wid)

    def graph_body(g, carry):
        do_graph(wid + NW * g, g + 1 < ngraphs)
        return carry

    lax.fori_loop(0, ngraphs, graph_body, 0)


@jax.jit
def _sc_stage(xp, yp, zp, cidx):
    mesh = plsc.VectorSubcoreMesh(core_axis_name="c", subcore_axis_name="s")
    f = pl.kernel(
        _sc_body,
        out_type=[
            jax.ShapeDtypeStruct((B, N), jnp.float32),
            jax.ShapeDtypeStruct((B, 16), jnp.float32),
        ],
        mesh=mesh,
        compiler_params=pltpu.CompilerParams(needs_layout_passes=False),
        scratch_types=[
            pltpu.VMEM((N,), jnp.float32),
            pltpu.VMEM((N,), jnp.float32),
            pltpu.VMEM((N,), jnp.float32),
            pltpu.VMEM((N,), jnp.float32),
            pltpu.VMEM((16 * SLOTS,), jnp.float32),
            pltpu.VMEM((B,), jnp.int32),
            pltpu.VMEM((16,), jnp.float32),
            pltpu.SemaphoreType.DMA,
        ],
    )
    return f(xp, yp, zp, cidx)


def _tc_body(s_ref, sk_ref, md_ref, mask_ref, rad_ref):
    s = s_ref[...]
    dist = jnp.sqrt(s)
    dk = jnp.sqrt(sk_ref[...])
    radius = jnp.maximum(dk * jnp.float32(1.5), jnp.float32(MIN_RADIUS))
    rad_ref[...] = radius[:, 0]
    rb = jnp.broadcast_to(radius[:, 0:1], (B, N))
    mask = dist < rb
    md_ref[...] = jnp.where(mask, dist, jnp.float32(0.0))
    mask_ref[...] = mask.astype(jnp.int8)


@jax.jit
def _tc_stage(s, sk):
    return pl.pallas_call(
        _tc_body,
        out_shape=(
            jax.ShapeDtypeStruct((B, N), jnp.float32),
            jax.ShapeDtypeStruct((B, N), jnp.int8),
            jax.ShapeDtypeStruct((B,), jnp.float32),
        ),
    )(s, sk)


def kernel(node_position, center_idx):
    xp = node_position[:, :, 0]
    yp = node_position[:, :, 1]
    zp = node_position[:, :, 2]
    s, sk = _sc_stage(xp, yp, zp, center_idx.astype(jnp.int32))
    md, mask8, rad = _tc_stage(s, sk)
    return md, mask8.astype(jnp.bool_), rad

# --- scband reference (transcript-rebuilt; emitter-appended) ---
"""Pipeline reference for scband-subspace-node-44667659879038 (READ-ONLY COPY).

The authoritative reference and input builder live on the scoring server;
editing this copy changes nothing except your own understanding.
"""

import jax, jax.numpy as jnp
import numpy as np

MIN_RADIUS = 15.0
MIN_NEIGHBOR = 50


def setup_inputs(seed: int = 0) -> dict:
    key = jax.random.key(seed)
    k1, k2 = jax.random.split(key)
    # 50 graphs, 2000 nodes each, 3D spatial coordinates (scaled so radii are meaningful)
    node_position = jax.random.normal(k1, (50, 2000, 3), dtype=jnp.float32) * 20.0
    # one randomly picked center node per graph (variadic_sample equivalent)
    center_idx = jax.random.randint(k2, (50,), 0, 2000, dtype=jnp.int32)
    return {"node_position": node_position, "center_idx": center_idx}


def reference(node_position, center_idx):
    # node_position: [B, N, 3]; center_idx: [B]
    # Faithful translation of SubspaceNode.forward on a batch of equal-size graphs:
    # pick center per graph, compute distances to all nodes, take k smallest
    # distances (variadic_topk largest=False), radius = max(1.5 * kth_dist, min_radius),
    # mask = dist < radius selects the spatial-ball subgraph nodes.
    B, N, _ = node_position.shape
    center_pos = jnp.take_along_axis(
        node_position, center_idx[:, None, None].astype(jnp.int32), axis=1
    )  # [B, 1, 3]
    diff = node_position - center_pos  # [B, N, 3]
    dist = jnp.sqrt(jnp.sum(diff * diff, axis=-1) + 1e-12)  # [B, N]  (eps for grad safety at center)
    # k smallest distances via top_k on negated values (sorted ascending in dist)
    neg_topk, _ = jax.lax.top_k(-dist, MIN_NEIGHBOR)
    topk_dist = -neg_topk  # [B, k], ascending
    radius = jnp.maximum(topk_dist[:, -1] * 1.5, MIN_RADIUS)  # [B]
    mask = dist < radius[:, None]  # [B, N] bool: nodes kept in the subgraph
    masked_dist = jnp.where(mask, dist, 0.0)
    return masked_dist, mask, radius

if __name__ == "__main__":
    import jax
    _d = setup_inputs()
    print(jax.jit(kernel)(*tuple(_d.values())))

</pallas_src>

<mosaic_0001>
#map = affine_map<(d0, d1) -> (0, 0)>
#map1 = affine_map<(d0, d1) -> (0)>
module attributes {stable_mosaic.version = 14 : i64} {
  func.func @_sc_body(%arg0: i32, %arg1: i32, %arg2: memref<50x2000xf32, #tpu.memory_space<hbm>>, %arg3: memref<50x2000xf32, #tpu.memory_space<hbm>>, %arg4: memref<50x2000xf32, #tpu.memory_space<hbm>>, %arg5: memref<50xi32, #tpu.memory_space<hbm>>, %arg6: memref<50x2000xf32, #tpu.memory_space<hbm>>, %arg7: memref<50x16xf32, #tpu.memory_space<hbm>>, %arg8: memref<2000xf32, #tpu.memory_space<vmem>>, %arg9: memref<2000xf32, #tpu.memory_space<vmem>>, %arg10: memref<2000xf32, #tpu.memory_space<vmem>>, %arg11: memref<2000xf32, #tpu.memory_space<vmem>>, %arg12: memref<2048xf32, #tpu.memory_space<vmem>>, %arg13: memref<50xi32, #tpu.memory_space<vmem>>, %arg14: memref<16xf32, #tpu.memory_space<vmem>>, %arg15: memref<!tpu.dma_semaphore, #tpu.memory_space<semaphore_mem>>) attributes {dimension_semantics = [#tpu.dimension_semantics<core_parallel>, #tpu.dimension_semantics<subcore_parallel>], iteration_bounds = array<i64: 2, 16>, scalar_prefetch = 0 : i64, scratch_operands = 8 : i64, tpu.core_type = #tpu.core_type<sc_vector_subcore>, window_params = [{transform_indices = #map}, {transform_indices = #map}, {transform_indices = #map}, {transform_indices = #map1}, {transform_indices = #map}, {transform_indices = #map}]} {
    %mul3A = arith.constant 2 : i32
    %mul3A_0 = arith.muli %arg1, %mul3A : i32
    %add3A = arith.addi %mul3A_0, %arg0 : i32
    "tpu.region"() ({
      %run_scoped3A = tpu.sem_alloc : memref<!tpu.dma_semaphore, #tpu.memory_space<semaphore_mem>>
      tpu.enqueue_dma source(%arg5 : memref<50xi32, #tpu.memory_space<hbm>>) target(%arg13 : memref<50xi32, #tpu.memory_space<vmem>>) target_semaphore(%run_scoped3A : memref<!tpu.dma_semaphore, #tpu.memory_space<semaphore_mem>>)
      tpu.wait_dma2 semaphore(%run_scoped3A : memref<!tpu.dma_semaphore, #tpu.memory_space<semaphore_mem>>) src(%arg5 : memref<50xi32, #tpu.memory_space<hbm>>) dst(%arg13 : memref<50xi32, #tpu.memory_space<vmem>>)
      tpu.yield
    }) : () -> ()
    %iota3A = tpu.iota {dimensions = array<i32: 0>} : vector<16xi32>
    %mul3A_1 = arith.constant 128 : i32
    %mul3A_2 = vector.broadcast %mul3A_1 : i32 to vector<16xi32>
    %mul3A_3 = arith.muli %iota3A, %mul3A_2 : vector<16xi32>
    %broadcast_in_dim3A = arith.constant 0 : i32
    %broadcast_in_dim3A_4 = vector.broadcast %broadcast_in_dim3A : i32 to vector<16xi32>
    %broadcast_in_dim3A_5 = arith.constant 1 : i32
    %broadcast_in_dim3A_6 = vector.broadcast %broadcast_in_dim3A_5 : i32 to vector<16xi32>
    %broadcast_in_dim3A_7 = arith.constant 0x7F800000 : f32
    %broadcast_in_dim3A_8 = vector.broadcast %broadcast_in_dim3A_7 : f32 to vector<16xf32>
    %add3A_9 = arith.constant 32 : i32
    %add3A_10 = arith.addi %add3A, %add3A_9 : i32
    %lt3A = arith.constant 50 : i32
    %lt3A_11 = arith.cmpi slt, %add3A_10, %lt3A : i32
    %jit3A = arith.constant 1 : i32
    %jit3A_12 = arith.constant 0 : i32
    %select_n3A = arith.select %lt3A_11, %jit3A, %jit3A_12 : i32
    %add3A_13 = arith.constant 1 : i32
    %add3A_14 = arith.addi %add3A_13, %select_n3A : i32
    %dma_start3A = arith.constant 0 : i32
    %dma_start3A_15 = tpu.memref_slice %arg2[%add3A, %dma_start3A] : memref<50x2000xf32, #tpu.memory_space<hbm>> -> memref<1x2000xf32, #tpu.memory_space<hbm>>
    %dma_start3A_16 = tpu.memref_squeeze %dma_start3A_15 : memref<1x2000xf32, #tpu.memory_space<hbm>> -> memref<2000xf32, #tpu.memory_space<hbm>>
    %dma_start3A_17 = arith.constant 0 : i32
    %dma_start3A_18 = tpu.memref_slice %arg2[%add3A, %dma_start3A_17] : memref<50x2000xf32, #tpu.memory_space<hbm>> -> memref<1x2000xf32, #tpu.memory_space<hbm>>
    %dma_start3A_19 = tpu.memref_squeeze %dma_start3A_18 : memref<1x2000xf32, #tpu.memory_space<hbm>> -> memref<2000xf32, #tpu.memory_space<hbm>>
    tpu.enqueue_dma source(%dma_start3A_19 : memref<2000xf32, #tpu.memory_space<hbm>>) target(%arg8 : memref<2000xf32, #tpu.memory_space<vmem>>) target_semaphore(%arg15 : memref<!tpu.dma_semaphore, #tpu.memory_space<semaphore_mem>>)
    %dma_start3A_20 = arith.constant 0 : i32
    %dma_start3A_21 = tpu.memref_slice %arg3[%add3A, %dma_start3A_20] : memref<50x2000xf32, #tpu.memory_space<hbm>> -> memref<1x2000xf32, #tpu.memory_space<hbm>>
    %dma_start3A_22 = tpu.memref_squeeze %dma_start3A_21 : memref<1x2000xf32, #tpu.memory_space<hbm>> -> memref<2000xf32, #tpu.memory_space<hbm>>
    %dma_start3A_23 = arith.constant 0 : i32
    %dma_start3A_24 = tpu.memref_slice %arg3[%add3A, %dma_start3A_23] : memref<50x2000xf32, #tpu.memory_space<hbm>> -> memref<1x2000xf32, #tpu.memory_space<hbm>>
    %dma_start3A_25 = tpu.memref_squeeze %dma_start3A_24 : memref<1x2000xf32, #tpu.memory_space<hbm>> -> memref<2000xf32, #tpu.memory_space<hbm>>
    tpu.enqueue_dma source(%dma_start3A_25 : memref<2000xf32, #tpu.memory_space<hbm>>) target(%arg9 : memref<2000xf32, #tpu.memory_space<vmem>>) target_semaphore(%arg15 : memref<!tpu.dma_semaphore, #tpu.memory_space<semaphore_mem>>)
    %dma_start3A_26 = arith.constant 0 : i32
    %dma_start3A_27 = tpu.memref_slice %arg4[%add3A, %dma_start3A_26] : memref<50x2000xf32, #tpu.memory_space<hbm>> -> memref<1x2000xf32, #tpu.memory_space<hbm>>
    %dma_start3A_28 = tpu.memref_squeeze %dma_start3A_27 : memref<1x2000xf32, #tpu.memory_space<hbm>> -> memref<2000xf32, #tpu.memory_space<hbm>>
    %dma_start3A_29 = arith.constant 0 : i32
    %dma_start3A_30 = tpu.memref_slice %arg4[%add3A, %dma_start3A_29] : memref<50x2000xf32, #tpu.memory_space<hbm>> -> memref<1x2000xf32, #tpu.memory_space<hbm>>
    %dma_start3A_31 = tpu.memref_squeeze %dma_start3A_30 : memref<1x2000xf32, #tpu.memory_space<hbm>> -> memref<2000xf32, #tpu.memory_space<hbm>>
    tpu.enqueue_dma source(%dma_start3A_31 : memref<2000xf32, #tpu.memory_space<hbm>>) target(%arg10 : memref<2000xf32, #tpu.memory_space<vmem>>) target_semaphore(%arg15 : memref<!tpu.dma_semaphore, #tpu.memory_space<semaphore_mem>>)
    %while3A = arith.constant 0 : i32
    %while3A_32 = arith.constant 0 : i32
    %while3A_33 = arith.subi %add3A_14, %while3A_32 : i32
    %while3A_34 = arith.addi %while3A_32, %while3A_33 : i32
    %while3A_35 = arith.constant 1 : i32
    %while3A_36 = arith.divsi %while3A_33, %while3A_35 : i32
    %while3A_37 = arith.muli %while3A_36, %while3A_35 : i32
    %while3A_38 = arith.addi %while3A_32, %while3A_37 : i32
    %while3A_39 = arith.constant 1 : i32
    scf.for %while3A_41 = %while3A_32 to %while3A_38 step %while3A_39  : i32 {
      %mul3A_42 = arith.constant 32 : i32
      %mul3A_43 = arith.muli %mul3A_42, %while3A_41 : i32
      %add3A_44 = arith.addi %add3A, %mul3A_43 : i32
      %add3A_45 = arith.constant 1 : i32
      %add3A_46 = arith.addi %while3A_41, %add3A_45 : i32
      %lt3A_47 = arith.cmpi slt, %add3A_46, %add3A_14 : i32
      %dma_wait3A = arith.constant 0 : i32
      %dma_wait3A_48 = tpu.memref_slice %arg2[%add3A_44, %dma_wait3A] : memref<50x2000xf32, #tpu.memory_space<hbm>> -> memref<1x2000xf32, #tpu.memory_space<hbm>>
      %dma_wait3A_49 = tpu.memref_squeeze %dma_wait3A_48 : memref<1x2000xf32, #tpu.memory_space<hbm>> -> memref<2000xf32, #tpu.memory_space<hbm>>
      %dma_wait3A_50 = arith.constant 0 : i32
      %dma_wait3A_51 = tpu.memref_slice %arg2[%add3A_44, %dma_wait3A_50] : memref<50x2000xf32, #tpu.memory_space<hbm>> -> memref<1x2000xf32, #tpu.memory_space<hbm>>
      %dma_wait3A_52 = tpu.memref_squeeze %dma_wait3A_51 : memref<1x2000xf32, #tpu.memory_space<hbm>> -> memref<2000xf32, #tpu.memory_space<hbm>>
      tpu.wait_dma2 semaphore(%arg15 : memref<!tpu.dma_semaphore, #tpu.memory_space<semaphore_mem>>) src(%dma_wait3A_52 : memref<2000xf32, #tpu.memory_space<hbm>>) dst(%arg8 : memref<2000xf32, #tpu.memory_space<vmem>>)
      %dma_wait3A_53 = arith.constant 0 : i32
      %dma_wait3A_54 = tpu.memref_slice %arg3[%add3A_44, %dma_wait3A_53] : memref<50x2000xf32, #tpu.memory_space<hbm>> -> memref<1x2000xf32, #tpu.memory_space<hbm>>
      %dma_wait3A_55 = tpu.memref_squeeze %dma_wait3A_54 : memref<1x2000xf32, #tpu.memory_space<hbm>> -> memref<2000xf32, #tpu.memory_space<hbm>>
      %dma_wait3A_56 = arith.constant 0 : i32
      %dma_wait3A_57 = tpu.memref_slice %arg3[%add3A_44, %dma_wait3A_56] : memref<50x2000xf32, #tpu.memory_space<hbm>> -> memref<1x2000xf32, #tpu.memory_space<hbm>>
      %dma_wait3A_58 = tpu.memref_squeeze %dma_wait3A_57 : memref<1x2000xf32, #tpu.memory_space<hbm>> -> memref<2000xf32, #tpu.memory_space<hbm>>
      tpu.wait_dma2 semaphore(%arg15 : memref<!tpu.dma_semaphore, #tpu.memory_space<semaphore_mem>>) src(%dma_wait3A_58 : memref<2000xf32, #tpu.memory_space<hbm>>) dst(%arg9 : memref<2000xf32, #tpu.memory_space<vmem>>)
      %dma_wait3A_59 = arith.constant 0 : i32
      %dma_wait3A_60 = tpu.memref_slice %arg4[%add3A_44, %dma_wait3A_59] : memref<50x2000xf32, #tpu.memory_space<hbm>> -> memref<1x2000xf32, #tpu.memory_space<hbm>>
      %dma_wait3A_61 = tpu.memref_squeeze %dma_wait3A_60 : memref<1x2000xf32, #tpu.memory_space<hbm>> -> memref<2000xf32, #tpu.memory_space<hbm>>
      %dma_wait3A_62 = arith.constant 0 : i32
      %dma_wait3A_63 = tpu.memref_slice %arg4[%add3A_44, %dma_wait3A_62] : memref<50x2000xf32, #tpu.memory_space<hbm>> -> memref<1x2000xf32, #tpu.memory_space<hbm>>
      %dma_wait3A_64 = tpu.memref_squeeze %dma_wait3A_63 : memref<1x2000xf32, #tpu.memory_space<hbm>> -> memref<2000xf32, #tpu.memory_space<hbm>>
      tpu.wait_dma2 semaphore(%arg15 : memref<!tpu.dma_semaphore, #tpu.memory_space<semaphore_mem>>) src(%dma_wait3A_64 : memref<2000xf32, #tpu.memory_space<hbm>>) dst(%arg10 : memref<2000xf32, #tpu.memory_space<vmem>>)
      %broadcast_in_dim3A_65 = vector.broadcast %add3A_44 : i32 to vector<16xi32>
      %gather3A = tpu.vector_load_idx %arg13[%broadcast_in_dim3A_65] : memref<50xi32, #tpu.memory_space<vmem>>[vector<16xi32>], vector<16xi32>,
      %gather3A_66 = tpu.vector_load_idx %arg8[%gather3A] : memref<2000xf32, #tpu.memory_space<vmem>>[vector<16xi32>], vector<16xf32>,
      %gather3A_67 = tpu.vector_load_idx %arg9[%gather3A] : memref<2000xf32, #tpu.memory_space<vmem>>[vector<16xi32>], vector<16xf32>,
      %gather3A_68 = tpu.vector_load_idx %arg10[%gather3A] : memref<2000xf32, #tpu.memory_space<vmem>>[vector<16xi32>], vector<16xf32>,
      %scan3A = arith.constant 0 : i32
      %scan3A_69 = arith.constant 25 : i32
      %scan3A_70 = arith.addi %scan3A, %scan3A_69 : i32
      %scan3A_71 = arith.constant 1 : i32
      %scan3A_72:8 = scf.for %scan3A_107 = %scan3A to %scan3A_70 step %scan3A_71 iter_args(%scan3A_108 = %broadcast_in_dim3A_8, %scan3A_109 = %broadcast_in_dim3A_8, %scan3A_110 = %broadcast_in_dim3A_8, %scan3A_111 = %broadcast_in_dim3A_8, %scan3A_112 = %broadcast_in_dim3A_8, %scan3A_113 = %broadcast_in_dim3A_8, %scan3A_114 = %broadcast_in_dim3A_8, %scan3A_115 = %broadcast_in_dim3A_8) -> (vector<16xf32>, vector<16xf32>, vector<16xf32>, vector<16xf32>, vector<16xf32>, vector<16xf32>, vector<16xf32>, vector<16xf32>)  : i32 {
        %mul3A_116 = arith.constant 5 : i32
        %mul3A_117 = arith.muli %scan3A_107, %mul3A_116 : i32
        %add3A_118 = arith.constant 0 : i32
        %add3A_119 = arith.addi %mul3A_117, %add3A_118 : i32
        %mul3A_120 = arith.constant 16 : i32
        %mul3A_121 = arith.muli %add3A_119, %mul3A_120 : i32
        %get3A = arith.index_cast %mul3A_121 : i32 to index
        %get3A_122 = tpu.vector_load %arg8[%get3A] {strides = array<i32>} : memref<2000xf32, #tpu.memory_space<vmem>>, vector<16xf32>,
        %sub3A = arith.subf %get3A_122, %gather3A_66 : vector<16xf32>
        %mul3A_123 = arith.constant 16 : i32
        %mul3A_124 = arith.muli %add3A_119, %mul3A_123 : i32
        %get3A_125 = arith.index_cast %mul3A_124 : i32 to index
        %get3A_126 = tpu.vector_load %arg9[%get3A_125] {strides = array<i32>} : memref<2000xf32, #tpu.memory_space<vmem>>, vector<16xf32>,
        %sub3A_127 = arith.subf %get3A_126, %gather3A_67 : vector<16xf32>
        %mul3A_128 = arith.constant 16 : i32
        %mul3A_129 = arith.muli %add3A_119, %mul3A_128 : i32
        %get3A_130 = arith.index_cast %mul3A_129 : i32 to index
        %get3A_131 = tpu.vector_load %arg10[%get3A_130] {strides = array<i32>} : memref<2000xf32, #tpu.memory_space<vmem>>, vector<16xf32>,
        %sub3A_132 = arith.subf %get3A_131, %gather3A_68 : vector<16xf32>
        %mul3A_133 = arith.mulf %sub3A, %sub3A : vector<16xf32>
        %mul3A_134 = arith.mulf %sub3A_127, %sub3A_127 : vector<16xf32>
        %add3A_135 = arith.addf %mul3A_133, %mul3A_134 : vector<16xf32>
        %mul3A_136 = arith.mulf %sub3A_132, %sub3A_132 : vector<16xf32>
        %add3A_137 = arith.addf %add3A_135, %mul3A_136 : vector<16xf32>
        %add3A_138 = arith.constant 9.99999996E-13 : f32
        %add3A_139 = vector.broadcast %add3A_138 : f32 to vector<16xf32>
        %add3A_140 = arith.addf %add3A_137, %add3A_139 : vector<16xf32>
        %mul3A_141 = arith.constant 16 : i32
        %mul3A_142 = arith.muli %add3A_119, %mul3A_141 : i32
        %swap3A_143 = arith.index_cast %mul3A_142 : i32 to index
        %swap3A_144 = tpu.vector_load %arg11[%swap3A_143] {strides = array<i32>} : memref<2000xf32, #tpu.memory_space<vmem>>, vector<16xf32>,
        tpu.vector_store %arg11[%swap3A_143], %add3A_140 {strides = array<i32>} : memref<2000xf32, #tpu.memory_space<vmem>>, vector<16xf32>,
        %max3A = arith.maximumf %scan3A_114, %add3A_140 : vector<16xf32>
        %min3A = arith.minimumf %scan3A_115, %max3A : vector<16xf32>
        %max3A_145 = arith.maximumf %scan3A_113, %add3A_140 : vector<16xf32>
        %min3A_146 = arith.minimumf %scan3A_114, %max3A_145 : vector<16xf32>
        %max3A_147 = arith.maximumf %scan3A_112, %add3A_140 : vector<16xf32>
        %min3A_148 = arith.minimumf %scan3A_113, %max3A_147 : vector<16xf32>
        %max3A_149 = arith.maximumf %scan3A_111, %add3A_140 : vector<16xf32>
        %min3A_150 = arith.minimumf %scan3A_112, %max3A_149 : vector<16xf32>
        %max3A_151 = arith.maximumf %scan3A_110, %add3A_140 : vector<16xf32>
        %min3A_152 = arith.minimumf %scan3A_111, %max3A_151 : vector<16xf32>
        %max3A_153 = arith.maximumf %scan3A_109, %add3A_140 : vector<16xf32>
        %min3A_154 = arith.minimumf %scan3A_110, %max3A_153 : vector<16xf32>
        %max3A_155 = arith.maximumf %scan3A_108, %add3A_140 : vector<16xf32>
        %min3A_156 = arith.minimumf %scan3A_109, %max3A_155 : vector<16xf32>
        %min3A_157 = arith.minimumf %scan3A_108, %add3A_140 : vector<16xf32>
        %mul3A_158 = arith.constant 5 : i32
        %mul3A_159 = arith.muli %scan3A_107, %mul3A_158 : i32
        %add3A_160 = arith.constant 1 : i32
        %add3A_161 = arith.addi %mul3A_159, %add3A_160 : i32
        %mul3A_162 = arith.constant 16 : i32
        %mul3A_163 = arith.muli %add3A_161, %mul3A_162 : i32
        %get3A_164 = arith.index_cast %mul3A_163 : i32 to index
        %get3A_165 = tpu.vector_load %arg8[%get3A_164] {strides = array<i32>} : memref<2000xf32, #tpu.memory_space<vmem>>, vector<16xf32>,
        %sub3A_166 = arith.subf %get3A_165, %gather3A_66 : vector<16xf32>
        %mul3A_167 = arith.constant 16 : i32
        %mul3A_168 = arith.muli %add3A_161, %mul3A_167 : i32
        %get3A_169 = arith.index_cast %mul3A_168 : i32 to index
        %get3A_170 = tpu.vector_load %arg9[%get3A_169] {strides = array<i32>} : memref<2000xf32, #tpu.memory_space<vmem>>, vector<16xf32>,
        %sub3A_171 = arith.subf %get3A_170, %gather3A_67 : vector<16xf32>
        %mul3A_172 = arith.constant 16 : i32
        %mul3A_173 = arith.muli %add3A_161, %mul3A_172 : i32
        %get3A_174 = arith.index_cast %mul3A_173 : i32 to index
        %get3A_175 = tpu.vector_load %arg10[%get3A_174] {strides = array<i32>} : memref<2000xf32, #tpu.memory_space<vmem>>, vector<16xf32>,
        %sub3A_176 = arith.subf %get3A_175, %gather3A_68 : vector<16xf32>
        %mul3A_177 = arith.mulf %sub3A_166, %sub3A_166 : vector<16xf32>
        %mul3A_178 = arith.mulf %sub3A_171, %sub3A_171 : vector<16xf32>
        %add3A_179 = arith.addf %mul3A_177, %mul3A_178 : vector<16xf32>
        %mul3A_180 = arith.mulf %sub3A_176, %sub3A_176 : vector<16xf32>
        %add3A_181 = arith.addf %add3A_179, %mul3A_180 : vector<16xf32>
        %add3A_182 = arith.constant 9.99999996E-13 : f32
        %add3A_183 = vector.broadcast %add3A_182 : f32 to vector<16xf32>
        %add3A_184 = arith.addf %add3A_181, %add3A_183 : vector<16xf32>
        %mul3A_185 = arith.constant 16 : i32
        %mul3A_186 = arith.muli %add3A_161, %mul3A_185 : i32
        %swap3A_187 = arith.index_cast %mul3A_186 : i32 to index
        %swap3A_188 = tpu.vector_load %arg11[%swap3A_187] {strides = array<i32>} : memref<2000xf32, #tpu.memory_space<vmem>>, vector<16xf32>,
        tpu.vector_store %arg11[%swap3A_187], %add3A_184 {strides = array<i32>} : memref<2000xf32, #tpu.memory_space<vmem>>, vector<16xf32>,
        %max3A_189 = arith.maximumf %min3A_146, %add3A_184 : vector<16xf32>
        %min3A_190 = arith.minimumf %min3A, %max3A_189 : vector<16xf32>
        %max3A_191 = arith.maximumf %min3A_148, %add3A_184 : vector<16xf32>
        %min3A_192 = arith.minimumf %min3A_146, %max3A_191 : vector<16xf32>
        %max3A_193 = arith.maximumf %min3A_150, %add3A_184 : vector<16xf32>
        %min3A_194 = arith.minimumf %min3A_148, %max3A_193 : vector<16xf32>
        %max3A_195 = arith.maximumf %min3A_152, %add3A_184 : vector<16xf32>
        %min3A_196 = arith.minimumf %min3A_150, %max3A_195 : vector<16xf32>
        %max3A_197 = arith.maximumf %min3A_154, %add3A_184 : vector<16xf32>
        %min3A_198 = arith.minimumf %min3A_152, %max3A_197 : vector<16xf32>
        %max3A_199 = arith.maximumf %min3A_156, %add3A_184 : vector<16xf32>
        %min3A_200 = arith.minimumf %min3A_154, %max3A_199 : vector<16xf32>
        %max3A_201 = arith.maximumf %min3A_157, %add3A_184 : vector<16xf32>
        %min3A_202 = arith.minimumf %min3A_156, %max3A_201 : vector<16xf32>
        %min3A_203 = arith.minimumf %min3A_157, %add3A_184 : vector<16xf32>
        %mul3A_204 = arith.constant 5 : i32
        %mul3A_205 = arith.muli %scan3A_107, %mul3A_204 : i32
        %add3A_206 = arith.constant 2 : i32
        %add3A_207 = arith.addi %mul3A_205, %add3A_206 : i32
        %mul3A_208 = arith.constant 16 : i32
        %mul3A_209 = arith.muli %add3A_207, %mul3A_208 : i32
        %get3A_210 = arith.index_cast %mul3A_209 : i32 to index
        %get3A_211 = tpu.vector_load %arg8[%get3A_210] {strides = array<i32>} : memref<2000xf32, #tpu.memory_space<vmem>>, vector<16xf32>,
        %sub3A_212 = arith.subf %get3A_211, %gather3A_66 : vector<16xf32>
        %mul3A_213 = arith.constant 16 : i32
        %mul3A_214 = arith.muli %add3A_207, %mul3A_213 : i32
        %get3A_215 = arith.index_cast %mul3A_214 : i32 to index
        %get3A_216 = tpu.vector_load %arg9[%get3A_215] {strides = array<i32>} : memref<2000xf32, #tpu.memory_space<vmem>>, vector<16xf32>,
        %sub3A_217 = arith.subf %get3A_216, %gather3A_67 : vector<16xf32>
        %mul3A_218 = arith.constant 16 : i32
        %mul3A_219 = arith.muli %add3A_207, %mul3A_218 : i32
        %get3A_220 = arith.index_cast %mul3A_219 : i32 to index
        %get3A_221 = tpu.vector_load %arg10[%get3A_220] {strides = array<i32>} : memref<2000xf32, #tpu.memory_space<vmem>>, vector<16xf32>,
        %sub3A_222 = arith.subf %get3A_221, %gather3A_68 : vector<16xf32>
        %mul3A_223 = arith.mulf %sub3A_212, %sub3A_212 : vector<16xf32>
        %mul3A_224 = arith.mulf %sub3A_217, %sub3A_217 : vector<16xf32>
        %add3A_225 = arith.addf %mul3A_223, %mul3A_224 : vector<16xf32>
        %mul3A_226 = arith.mulf %sub3A_222, %sub3A_222 : vector<16xf32>
        %add3A_227 = arith.addf %add3A_225, %mul3A_226 : vector<16xf32>
        %add3A_228 = arith.constant 9.99999996E-13 : f32
        %add3A_229 = vector.broadcast %add3A_228 : f32 to vector<16xf32>
        %add3A_230 = arith.addf %add3A_227, %add3A_229 : vector<16xf32>
        %mul3A_231 = arith.constant 16 : i32
        %mul3A_232 = arith.muli %add3A_207, %mul3A_231 : i32
        %swap3A_233 = arith.index_cast %mul3A_232 : i32 to index
        %swap3A_234 = tpu.vector_load %arg11[%swap3A_233] {strides = array<i32>} : memref<2000xf32, #tpu.memory_space<vmem>>, vector<16xf32>,
        tpu.vector_store %arg11[%swap3A_233], %add3A_230 {strides = array<i32>} : memref<2000xf32, #tpu.memory_space<vmem>>, vector<16xf32>,
        %max3A_235 = arith.maximumf %min3A_192, %add3A_230 : vector<16xf32>
        %min3A_236 = arith.minimumf %min3A_190, %max3A_235 : vector<16xf32>
        %max3A_237 = arith.maximumf %min3A_194, %add3A_230 : vector<16xf32>
        %min3A_238 = arith.minimumf %min3A_192, %max3A_237 : vector<16xf32>
        %max3A_239 = arith.maximumf %min3A_196, %add3A_230 : vector<16xf32>
        %min3A_240 = arith.minimumf %min3A_194, %max3A_239 : vector<16xf32>
        %max3A_241 = arith.maximumf %min3A_198, %add3A_230 : vector<16xf32>
        %min3A_242 = arith.minimumf %min3A_196, %max3A_241 : vector<16xf32>
        %max3A_243 = arith.maximumf %min3A_200, %add3A_230 : vector<16xf32>
        %min3A_244 = arith.minimumf %min3A_198, %max3A_243 : vector<16xf32>
        %max3A_245 = arith.maximumf %min3A_202, %add3A_230 : vector<16xf32>
        %min3A_246 = arith.minimumf %min3A_200, %max3A_245 : vector<16xf32>
        %max3A_247 = arith.maximumf %min3A_203, %add3A_230 : vector<16xf32>
        %min3A_248 = arith.minimumf %min3A_202, %max3A_247 : vector<16xf32>
        %min3A_249 = arith.minimumf %min3A_203, %add3A_230 : vector<16xf32>
        %mul3A_250 = arith.constant 5 : i32
        %mul3A_251 = arith.muli %scan3A_107, %mul3A_250 : i32
        %add3A_252 = arith.constant 3 : i32
        %add3A_253 = arith.addi %mul3A_251, %add3A_252 : i32
        %mul3A_254 = arith.constant 16 : i32
        %mul3A_255 = arith.muli %add3A_253, %mul3A_254 : i32
        %get3A_256 = arith.index_cast %mul3A_255 : i32 to index
        %get3A_257 = tpu.vector_load %arg8[%get3A_256] {strides = array<i32>} : memref<2000xf32, #tpu.memory_space<vmem>>, vector<16xf32>,
        %sub3A_258 = arith.subf %get3A_257, %gather3A_66 : vector<16xf32>
        %mul3A_259 = arith.constant 16 : i32
        %mul3A_260 = arith.muli %add3A_253, %mul3A_259 : i32
        %get3A_261 = arith.index_cast %mul3A_260 : i32 to index
        %get3A_262 = tpu.vector_load %arg9[%get3A_261] {strides = array<i32>} : memref<2000xf32, #tpu.memory_space<vmem>>, vector<16xf32>,
        %sub3A_263 = arith.subf %get3A_262, %gather3A_67 : vector<16xf32>
        %mul3A_264 = arith.constant 16 : i32
        %mul3A_265 = arith.muli %add3A_253, %mul3A_264 : i32
        %get3A_266 = arith.index_cast %mul3A_265 : i32 to index
        %get3A_267 = tpu.vector_load %arg10[%get3A_266] {strides = array<i32>} : memref<2000xf32, #tpu.memory_space<vmem>>, vector<16xf32>,
        %sub3A_268 = arith.subf %get3A_267, %gather3A_68 : vector<16xf32>
        %mul3A_269 = arith.mulf %sub3A_258, %sub3A_258 : vector<16xf32>
        %mul3A_270 = arith.mulf %sub3A_263, %sub3A_263 : vector<16xf32>
        %add3A_271 = arith.addf %mul3A_269, %mul3A_270 : vector<16xf32>
        %mul3A_272 = arith.mulf %sub3A_268, %sub3A_268 : vector<16xf32>
        %add3A_273 = arith.addf %add3A_271, %mul3A_272 : vector<16xf32>
        %add3A_274 = arith.constant 9.99999996E-13 : f32
        %add3A_275 = vector.broadcast %add3A_274 : f32 to vector<16xf32>
        %add3A_276 = arith.addf %add3A_273, %add3A_275 : vector<16xf32>
        %mul3A_277 = arith.constant 16 : i32
        %mul3A_278 = arith.muli %add3A_253, %mul3A_277 : i32
        %swap3A_279 = arith.index_cast %mul3A_278 : i32 to index
        %swap3A_280 = tpu.vector_load %arg11[%swap3A_279] {strides = array<i32>} : memref<2000xf32, #tpu.memory_space<vmem>>, vector<16xf32>,
        tpu.vector_store %arg11[%swap3A_279], %add3A_276 {strides = array<i32>} : memref<2000xf32, #tpu.memory_space<vmem>>, vector<16xf32>,
        %max3A_281 = arith.maximumf %min3A_238, %add3A_276 : vector<16xf32>
        %min3A_282 = arith.minimumf %min3A_236, %max3A_281 : vector<16xf32>
        %max3A_283 = arith.maximumf %min3A_240, %add3A_276 : vector<16xf32>
        %min3A_284 = arith.minimumf %min3A_238, %max3A_283 : vector<16xf32>
        %max3A_285 = arith.maximumf %min3A_242, %add3A_276 : vector<16xf32>
        %min3A_286 = arith.minimumf %min3A_240, %max3A_285 : vector<16xf32>
        %max3A_287 = arith.maximumf %min3A_244, %add3A_276 : vector<16xf32>
        %min3A_288 = arith.minimumf %min3A_242, %max3A_287 : vector<16xf32>
        %max3A_289 = arith.maximumf %min3A_246, %add3A_276 : vector<16xf32>
        %min3A_290 = arith.minimumf %min3A_244, %max3A_289 : vector<16xf32>
        %max3A_291 = arith.maximumf %min3A_248, %add3A_276 : vector<16xf32>
        %min3A_292 = arith.minimumf %min3A_246, %max3A_291 : vector<16xf32>
        %max3A_293 = arith.maximumf %min3A_249, %add3A_276 : vector<16xf32>
        %min3A_294 = arith.minimumf %min3A_248, %max3A_293 : vector<16xf32>
        %min3A_295 = arith.minimumf %min3A_249, %add3A_276 : vector<16xf32>
        %mul3A_296 = arith.constant 5 : i32
        %mul3A_297 = arith.muli %scan3A_107, %mul3A_296 : i32
        %add3A_298 = arith.constant 4 : i32
        %add3A_299 = arith.addi %mul3A_297, %add3A_298 : i32
        %mul3A_300 = arith.constant 16 : i32
        %mul3A_301 = arith.muli %add3A_299, %mul3A_300 : i32
        %get3A_302 = arith.index_cast %mul3A_301 : i32 to index
        %get3A_303 = tpu.vector_load %arg8[%get3A_302] {strides = array<i32>} : memref<2000xf32, #tpu.memory_space<vmem>>, vector<16xf32>,
        %sub3A_304 = arith.subf %get3A_303, %gather3A_66 : vector<16xf32>
        %mul3A_305 = arith.constant 16 : i32
        %mul3A_306 = arith.muli %add3A_299, %mul3A_305 : i32
        %get3A_307 = arith.index_cast %mul3A_306 : i32 to index
        %get3A_308 = tpu.vector_load %arg9[%get3A_307] {strides = array<i32>} : memref<2000xf32, #tpu.memory_space<vmem>>, vector<16xf32>,
        %sub3A_309 = arith.subf %get3A_308, %gather3A_67 : vector<16xf32>
        %mul3A_310 = arith.constant 16 : i32
        %mul3A_311 = arith.muli %add3A_299, %mul3A_310 : i32
        %get3A_312 = arith.index_cast %mul3A_311 : i32 to index
        %get3A_313 = tpu.vector_load %arg10[%get3A_312] {strides = array<i32>} : memref<2000xf32, #tpu.memory_space<vmem>>, vector<16xf32>,
        %sub3A_314 = arith.subf %get3A_313, %gather3A_68 : vector<16xf32>
        %mul3A_315 = arith.mulf %sub3A_304, %sub3A_304 : vector<16xf32>
        %mul3A_316 = arith.mulf %sub3A_309, %sub3A_309 : vector<16xf32>
        %add3A_317 = arith.addf %mul3A_315, %mul3A_316 : vector<16xf32>
        %mul3A_318 = arith.mulf %sub3A_314, %sub3A_314 : vector<16xf32>
        %add3A_319 = arith.addf %add3A_317, %mul3A_318 : vector<16xf32>
        %add3A_320 = arith.constant 9.99999996E-13 : f32
        %add3A_321 = vector.broadcast %add3A_320 : f32 to vector<16xf32>
        %add3A_322 = arith.addf %add3A_319, %add3A_321 : vector<16xf32>
        %mul3A_323 = arith.constant 16 : i32
        %mul3A_324 = arith.muli %add3A_299, %mul3A_323 : i32
        %swap3A_325 = arith.index_cast %mul3A_324 : i32 to index
        %swap3A_326 = tpu.vector_load %arg11[%swap3A_325] {strides = array<i32>} : memref<2000xf32, #tpu.memory_space<vmem>>, vector<16xf32>,
        tpu.vector_store %arg11[%swap3A_325], %add3A_322 {strides = array<i32>} : memref<2000xf32, #tpu.memory_space<vmem>>, vector<16xf32>,
        %max3A_327 = arith.maximumf %min3A_284, %add3A_322 : vector<16xf32>
        %min3A_328 = arith.minimumf %min3A_282, %max3A_327 : vector<16xf32>
        %max3A_329 = arith.maximumf %min3A_286, %add3A_322 : vector<16xf32>
        %min3A_330 = arith.minimumf %min3A_284, %max3A_329 : vector<16xf32>
        %max3A_331 = arith.maximumf %min3A_288, %add3A_322 : vector<16xf32>
        %min3A_332 = arith.minimumf %min3A_286, %max3A_331 : vector<16xf32>
        %max3A_333 = arith.maximumf %min3A_290, %add3A_322 : vector<16xf32>
        %min3A_334 = arith.minimumf %min3A_288, %max3A_333 : vector<16xf32>
        %max3A_335 = arith.maximumf %min3A_292, %add3A_322 : vector<16xf32>
        %min3A_336 = arith.minimumf %min3A_290, %max3A_335 : vector<16xf32>
        %max3A_337 = arith.maximumf %min3A_294, %add3A_322 : vector<16xf32>
        %min3A_338 = arith.minimumf %min3A_292, %max3A_337 : vector<16xf32>
        %max3A_339 = arith.maximumf %min3A_295, %add3A_322 : vector<16xf32>
        %min3A_340 = arith.minimumf %min3A_294, %max3A_339 : vector<16xf32>
        %min3A_341 = arith.minimumf %min3A_295, %add3A_322 : vector<16xf32>
        scf.yield %min3A_341, %min3A_340, %min3A_338, %min3A_336, %min3A_334, %min3A_332, %min3A_330, %min3A_328 : vector<16xf32>, vector<16xf32>, vector<16xf32>, vector<16xf32>, vector<16xf32>, vector<16xf32>, vector<16xf32>, vector<16xf32>
      }
      %scan3A_73 = arith.constant 25 : i32
      %convert_element_type3A = arith.extui %lt3A_47 : i1 to i32
      %cond3A = arith.constant 0 : i32
      %cond3A_74 = arith.cmpi ne, %convert_element_type3A, %cond3A : i32
      scf.if %cond3A_74 {
        %add3A_107 = arith.constant 32 : i32
        %add3A_108 = arith.addi %add3A_44, %add3A_107 : i32
        %dma_start3A_109 = arith.constant 0 : i32
        %dma_start3A_110 = tpu.memref_slice %arg2[%add3A_108, %dma_start3A_109] : memref<50x2000xf32, #tpu.memory_space<hbm>> -> memref<1x2000xf32, #tpu.memory_space<hbm>>
        %dma_start3A_111 = tpu.memref_squeeze %dma_start3A_110 : memref<1x2000xf32, #tpu.memory_space<hbm>> -> memref<2000xf32, #tpu.memory_space<hbm>>
        %dma_start3A_112 = arith.constant 0 : i32
        %dma_start3A_113 = tpu.memref_slice %arg2[%add3A_108, %dma_start3A_112] : memref<50x2000xf32, #tpu.memory_space<hbm>> -> memref<1x2000xf32, #tpu.memory_space<hbm>>
        %dma_start3A_114 = tpu.memref_squeeze %dma_start3A_113 : memref<1x2000xf32, #tpu.memory_space<hbm>> -> memref<2000xf32, #tpu.memory_space<hbm>>
        tpu.enqueue_dma source(%dma_start3A_114 : memref<2000xf32, #tpu.memory_space<hbm>>) target(%arg8 : memref<2000xf32, #tpu.memory_space<vmem>>) target_semaphore(%arg15 : memref<!tpu.dma_semaphore, #tpu.memory_space<semaphore_mem>>)
        %dma_start3A_115 = arith.constant 0 : i32
        %dma_start3A_116 = tpu.memref_slice %arg3[%add3A_108, %dma_start3A_115] : memref<50x2000xf32, #tpu.memory_space<hbm>> -> memref<1x2000xf32, #tpu.memory_space<hbm>>
        %dma_start3A_117 = tpu.memref_squeeze %dma_start3A_116 : memref<1x2000xf32, #tpu.memory_space<hbm>> -> memref<2000xf32, #tpu.memory_space<hbm>>
        %dma_start3A_118 = arith.constant 0 : i32
        %dma_start3A_119 = tpu.memref_slice %arg3[%add3A_108, %dma_start3A_118] : memref<50x2000xf32, #tpu.memory_space<hbm>> -> memref<1x2000xf32, #tpu.memory_space<hbm>>
        %dma_start3A_120 = tpu.memref_squeeze %dma_start3A_119 : memref<1x2000xf32, #tpu.memory_space<hbm>> -> memref<2000xf32, #tpu.memory_space<hbm>>
        tpu.enqueue_dma source(%dma_start3A_120 : memref<2000xf32, #tpu.memory_space<hbm>>) target(%arg9 : memref<2000xf32, #tpu.memory_space<vmem>>) target_semaphore(%arg15 : memref<!tpu.dma_semaphore, #tpu.memory_space<semaphore_mem>>)
        %dma_start3A_121 = arith.constant 0 : i32
        %dma_start3A_122 = tpu.memref_slice %arg4[%add3A_108, %dma_start3A_121] : memref<50x2000xf32, #tpu.memory_space<hbm>> -> memref<1x2000xf32, #tpu.memory_space<hbm>>
        %dma_start3A_123 = tpu.memref_squeeze %dma_start3A_122 : memref<1x2000xf32, #tpu.memory_space<hbm>> -> memref<2000xf32, #tpu.memory_space<hbm>>
        %dma_start3A_124 = arith.constant 0 : i32
        %dma_start3A_125 = tpu.memref_slice %arg4[%add3A_108, %dma_start3A_124] : memref<50x2000xf32, #tpu.memory_space<hbm>> -> memref<1x2000xf32, #tpu.memory_space<hbm>>
        %dma_start3A_126 = tpu.memref_squeeze %dma_start3A_125 : memref<1x2000xf32, #tpu.memory_space<hbm>> -> memref<2000xf32, #tpu.memory_space<hbm>>
        tpu.enqueue_dma source(%dma_start3A_126 : memref<2000xf32, #tpu.memory_space<hbm>>) target(%arg10 : memref<2000xf32, #tpu.memory_space<vmem>>) target_semaphore(%arg15 : memref<!tpu.dma_semaphore, #tpu.memory_space<semaphore_mem>>)
      } else {
      }
      %bitcast_convert_type3A = tpu.bitcast %scan3A_72#0 : vector<16xf32> -> vector<16xi32>
      %bitcast_convert_type3A_75 = tpu.bitcast %scan3A_72#1 : vector<16xf32> -> vector<16xi32>
      %bitcast_convert_type3A_76 = tpu.bitcast %scan3A_72#2 : vector<16xf32> -> vector<16xi32>
      %bitcast_convert_type3A_77 = tpu.bitcast %scan3A_72#3 : vector<16xf32> -> vector<16xi32>
      %bitcast_convert_type3A_78 = tpu.bitcast %scan3A_72#4 : vector<16xf32> -> vector<16xi32>
      %bitcast_convert_type3A_79 = tpu.bitcast %scan3A_72#5 : vector<16xf32> -> vector<16xi32>
      %bitcast_convert_type3A_80 = tpu.bitcast %scan3A_72#6 : vector<16xf32> -> vector<16xi32>
      %bitcast_convert_type3A_81 = tpu.bitcast %scan3A_72#7 : vector<16xf32> -> vector<16xi32>
      %broadcast_in_dim3A_82 = arith.constant 50 : i32
      %broadcast_in_dim3A_83 = vector.broadcast %broadcast_in_dim3A_82 : i32 to vector<16xi32>
      %scan3A_84 = arith.constant 0 : i32
      %scan3A_85 = arith.constant 31 : i32
      %scan3A_86 = arith.addi %scan3A_84, %scan3A_85 : i32
      %scan3A_87 = arith.constant 1 : i32
      %scan3A_88 = scf.for %scan3A_107 = %scan3A_84 to %scan3A_86 step %scan3A_87 iter_args(%scan3A_108 = %broadcast_in_dim3A_4) -> (vector<16xi32>)  : i32 {
        %broadcast_in_dim3A_109 = arith.constant 1 : i32
        %broadcast_in_dim3A_110 = vector.broadcast %broadcast_in_dim3A_109 : i32 to vector<16xi32>
        %broadcast_in_dim3A_111 = arith.constant 30 : i32
        %broadcast_in_dim3A_112 = vector.broadcast %broadcast_in_dim3A_111 : i32 to vector<16xi32>
        %sub3A = vector.broadcast %scan3A_107 : i32 to vector<16xi32>
        %sub3A_113 = arith.subi %broadcast_in_dim3A_112, %sub3A : vector<16xi32>
        %shift_left3A = arith.shli %broadcast_in_dim3A_110, %sub3A_113 : vector<16xi32>
        %or3A = arith.ori %scan3A_108, %shift_left3A : vector<16xi32>
        %lt3A_114 = arith.cmpi slt, %bitcast_convert_type3A, %or3A : vector<16xi32>
        %all_reduce_population_count3A = tpu.all_reduce %lt3A_114 {dim = 0 : i64, kind = #tpu.reduction_kind<sum>} : vector<16xi1> -> vector<16xi32>
        %add3A_115 = arith.addi %broadcast_in_dim3A_4, %all_reduce_population_count3A : vector<16xi32>
        %lt3A_116 = arith.cmpi slt, %bitcast_convert_type3A_75, %or3A : vector<16xi32>
        %all_reduce_population_count3A_117 = tpu.all_reduce %lt3A_116 {dim = 0 : i64, kind = #tpu.reduction_kind<sum>} : vector<16xi1> -> vector<16xi32>
        %add3A_118 = arith.addi %add3A_115, %all_reduce_population_count3A_117 : vector<16xi32>
        %lt3A_119 = arith.cmpi slt, %bitcast_convert_type3A_76, %or3A : vector<16xi32>
        %all_reduce_population_count3A_120 = tpu.all_reduce %lt3A_119 {dim = 0 : i64, kind = #tpu.reduction_kind<sum>} : vector<16xi1> -> vector<16xi32>
        %add3A_121 = arith.addi %add3A_118, %all_reduce_population_count3A_120 : vector<16xi32>
        %lt3A_122 = arith.cmpi slt, %bitcast_convert_type3A_77, %or3A : vector<16xi32>
        %all_reduce_population_count3A_123 = tpu.all_reduce %lt3A_122 {dim = 0 : i64, kind = #tpu.reduction_kind<sum>} : vector<16xi1> -> vector<16xi32>
        %add3A_124 = arith.addi %add3A_121, %all_reduce_population_count3A_123 : vector<16xi32>
        %lt3A_125 = arith.cmpi slt, %bitcast_convert_type3A_78, %or3A : vector<16xi32>
        %all_reduce_population_count3A_126 = tpu.all_reduce %lt3A_125 {dim = 0 : i64, kind = #tpu.reduction_kind<sum>} : vector<16xi1> -> vector<16xi32>
        %add3A_127 = arith.addi %add3A_124, %all_reduce_population_count3A_126 : vector<16xi32>
        %lt3A_128 = arith.cmpi slt, %bitcast_convert_type3A_79, %or3A : vector<16xi32>
        %all_reduce_population_count3A_129 = tpu.all_reduce %lt3A_128 {dim = 0 : i64, kind = #tpu.reduction_kind<sum>} : vector<16xi1> -> vector<16xi32>
        %add3A_130 = arith.addi %add3A_127, %all_reduce_population_count3A_129 : vector<16xi32>
        %lt3A_131 = arith.cmpi slt, %bitcast_convert_type3A_80, %or3A : vector<16xi32>
        %all_reduce_population_count3A_132 = tpu.all_reduce %lt3A_131 {dim = 0 : i64, kind = #tpu.reduction_kind<sum>} : vector<16xi1> -> vector<16xi32>
        %add3A_133 = arith.addi %add3A_130, %all_reduce_population_count3A_132 : vector<16xi32>
        %lt3A_134 = arith.cmpi slt, %bitcast_convert_type3A_81, %or3A : vector<16xi32>
        %all_reduce_population_count3A_135 = tpu.all_reduce %lt3A_134 {dim = 0 : i64, kind = #tpu.reduction_kind<sum>} : vector<16xi1> -> vector<16xi32>
        %add3A_136 = arith.addi %add3A_133, %all_reduce_population_count3A_135 : vector<16xi32>
        %ge3A_137 = arith.cmpi sge, %add3A_136, %broadcast_in_dim3A_83 : vector<16xi32>
        %select_n3A_138 = arith.select %ge3A_137, %scan3A_108, %or3A : vector<16xi1>, vector<16xi32>
        scf.yield %select_n3A_138 : vector<16xi32>
      }
      %scan3A_89 = arith.constant 31 : i32
      %bitcast_convert_type3A_90 = tpu.bitcast %scan3A_88 : vector<16xi32> -> vector<16xf32>
      %scan3A_91 = arith.constant 0 : i32
      %scan3A_92 = arith.constant 25 : i32
      %scan3A_93 = arith.addi %scan3A_91, %scan3A_92 : i32
      %scan3A_94 = arith.constant 1 : i32
      %scan3A_95:2 = scf.for %scan3A_107 = %scan3A_91 to %scan3A_93 step %scan3A_94 iter_args(%scan3A_108 = %broadcast_in_dim3A_4, %scan3A_109 = %broadcast_in_dim3A_4) -> (vector<16xi32>, vector<16xi32>)  : i32 {
        %mul3A_110 = arith.constant 5 : i32
        %mul3A_111 = arith.muli %scan3A_107, %mul3A_110 : i32
        %add3A_112 = arith.constant 0 : i32
        %add3A_113 = arith.addi %mul3A_111, %add3A_112 : i32
        %mul3A_114 = arith.constant 16 : i32
        %mul3A_115 = arith.muli %add3A_113, %mul3A_114 : i32
        %get3A = arith.index_cast %mul3A_115 : i32 to index
        %get3A_116 = tpu.vector_load %arg11[%get3A] {strides = array<i32>} : memref<2000xf32, #tpu.memory_space<vmem>>, vector<16xf32>,
        %lt3A_117 = arith.cmpf olt, %get3A_116, %bitcast_convert_type3A_90 : vector<16xf32>
        %all_reduce_population_count3A = tpu.all_reduce %lt3A_117 {dim = 0 : i64, kind = #tpu.reduction_kind<sum>} : vector<16xi1> -> vector<16xi32>
        %add3A_118 = arith.addi %scan3A_108, %all_reduce_population_count3A : vector<16xi32>
        %le3A_119 = arith.cmpf ole, %get3A_116, %bitcast_convert_type3A_90 : vector<16xf32>
        %all_reduce_population_count3A_120 = tpu.all_reduce %le3A_119 {dim = 0 : i64, kind = #tpu.reduction_kind<sum>} : vector<16xi1> -> vector<16xi32>
        %add3A_121 = arith.addi %scan3A_109, %all_reduce_population_count3A_120 : vector<16xi32>
        %mul3A_122 = arith.constant 5 : i32
        %mul3A_123 = arith.muli %scan3A_107, %mul3A_122 : i32
        %add3A_124 = arith.constant 1 : i32
        %add3A_125 = arith.addi %mul3A_123, %add3A_124 : i32
        %mul3A_126 = arith.constant 16 : i32
        %mul3A_127 = arith.muli %add3A_125, %mul3A_126 : i32
        %get3A_128 = arith.index_cast %mul3A_127 : i32 to index
        %get3A_129 = tpu.vector_load %arg11[%get3A_128] {strides = array<i32>} : memref<2000xf32, #tpu.memory_space<vmem>>, vector<16xf32>,
        %lt3A_130 = arith.cmpf olt, %get3A_129, %bitcast_convert_type3A_90 : vector<16xf32>
        %all_reduce_population_count3A_131 = tpu.all_reduce %lt3A_130 {dim = 0 : i64, kind = #tpu.reduction_kind<sum>} : vector<16xi1> -> vector<16xi32>
        %add3A_132 = arith.addi %add3A_118, %all_reduce_population_count3A_131 : vector<16xi32>
        %le3A_133 = arith.cmpf ole, %get3A_129, %bitcast_convert_type3A_90 : vector<16xf32>
        %all_reduce_population_count3A_134 = tpu.all_reduce %le3A_133 {dim = 0 : i64, kind = #tpu.reduction_kind<sum>} : vector<16xi1> -> vector<16xi32>
        %add3A_135 = arith.addi %add3A_121, %all_reduce_population_count3A_134 : vector<16xi32>
        %mul3A_136 = arith.constant 5 : i32
        %mul3A_137 = arith.muli %scan3A_107, %mul3A_136 : i32
        %add3A_138 = arith.constant 2 : i32
        %add3A_139 = arith.addi %mul3A_137, %add3A_138 : i32
        %mul3A_140 = arith.constant 16 : i32
        %mul3A_141 = arith.muli %add3A_139, %mul3A_140 : i32
        %get3A_142 = arith.index_cast %mul3A_141 : i32 to index
        %get3A_143 = tpu.vector_load %arg11[%get3A_142] {strides = array<i32>} : memref<2000xf32, #tpu.memory_space<vmem>>, vector<16xf32>,
        %lt3A_144 = arith.cmpf olt, %get3A_143, %bitcast_convert_type3A_90 : vector<16xf32>
        %all_reduce_population_count3A_145 = tpu.all_reduce %lt3A_144 {dim = 0 : i64, kind = #tpu.reduction_kind<sum>} : vector<16xi1> -> vector<16xi32>
        %add3A_146 = arith.addi %add3A_132, %all_reduce_population_count3A_145 : vector<16xi32>
        %le3A_147 = arith.cmpf ole, %get3A_143, %bitcast_convert_type3A_90 : vector<16xf32>
        %all_reduce_population_count3A_148 = tpu.all_reduce %le3A_147 {dim = 0 : i64, kind = #tpu.reduction_kind<sum>} : vector<16xi1> -> vector<16xi32>
        %add3A_149 = arith.addi %add3A_135, %all_reduce_population_count3A_148 : vector<16xi32>
        %mul3A_150 = arith.constant 5 : i32
        %mul3A_151 = arith.muli %scan3A_107, %mul3A_150 : i32
        %add3A_152 = arith.constant 3 : i32
        %add3A_153 = arith.addi %mul3A_151, %add3A_152 : i32
        %mul3A_154 = arith.constant 16 : i32
        %mul3A_155 = arith.muli %add3A_153, %mul3A_154 : i32
        %get3A_156 = arith.index_cast %mul3A_155 : i32 to index
        %get3A_157 = tpu.vector_load %arg11[%get3A_156] {strides = array<i32>} : memref<2000xf32, #tpu.memory_space<vmem>>, vector<16xf32>,
        %lt3A_158 = arith.cmpf olt, %get3A_157, %bitcast_convert_type3A_90 : vector<16xf32>
        %all_reduce_population_count3A_159 = tpu.all_reduce %lt3A_158 {dim = 0 : i64, kind = #tpu.reduction_kind<sum>} : vector<16xi1> -> vector<16xi32>
        %add3A_160 = arith.addi %add3A_146, %all_reduce_population_count3A_159 : vector<16xi32>
        %le3A_161 = arith.cmpf ole, %get3A_157, %bitcast_convert_type3A_90 : vector<16xf32>
        %all_reduce_population_count3A_162 = tpu.all_reduce %le3A_161 {dim = 0 : i64, kind = #tpu.reduction_kind<sum>} : vector<16xi1> -> vector<16xi32>
        %add3A_163 = arith.addi %add3A_149, %all_reduce_population_count3A_162 : vector<16xi32>
        %mul3A_164 = arith.constant 5 : i32
        %mul3A_165 = arith.muli %scan3A_107, %mul3A_164 : i32
        %add3A_166 = arith.constant 4 : i32
        %add3A_167 = arith.addi %mul3A_165, %add3A_166 : i32
        %mul3A_168 = arith.constant 16 : i32
        %mul3A_169 = arith.muli %add3A_167, %mul3A_168 : i32
        %get3A_170 = arith.index_cast %mul3A_169 : i32 to index
        %get3A_171 = tpu.vector_load %arg11[%get3A_170] {strides = array<i32>} : memref<2000xf32, #tpu.memory_space<vmem>>, vector<16xf32>,
        %lt3A_172 = arith.cmpf olt, %get3A_171, %bitcast_convert_type3A_90 : vector<16xf32>
        %all_reduce_population_count3A_173 = tpu.all_reduce %lt3A_172 {dim = 0 : i64, kind = #tpu.reduction_kind<sum>} : vector<16xi1> -> vector<16xi32>
        %add3A_174 = arith.addi %add3A_160, %all_reduce_population_count3A_173 : vector<16xi32>
        %le3A_175 = arith.cmpf ole, %get3A_171, %bitcast_convert_type3A_90 : vector<16xf32>
        %all_reduce_population_count3A_176 = tpu.all_reduce %le3A_175 {dim = 0 : i64, kind = #tpu.reduction_kind<sum>} : vector<16xi1> -> vector<16xi32>
        %add3A_177 = arith.addi %add3A_163, %all_reduce_population_count3A_176 : vector<16xi32>
        scf.yield %add3A_174, %add3A_177 : vector<16xi32>, vector<16xi32>
      }
      %scan3A_96 = arith.constant 25 : i32
      %slice3A = vector.extract_strided_slice %scan3A_95#0 {offsets = [0], sizes = [1], strides = [1]} : vector<16xi32> to vector<1xi32>
      %squeeze3A = vector.extract %slice3A[0] : i32 from vector<1xi32>
      %le3A = arith.constant 49 : i32
      %le3A_97 = arith.cmpi sle, %squeeze3A, %le3A : i32
      %slice3A_98 = vector.extract_strided_slice %scan3A_95#1 {offsets = [0], sizes = [1], strides = [1]} : vector<16xi32> to vector<1xi32>
      %squeeze3A_99 = vector.extract %slice3A_98[0] : i32 from vector<1xi32>
      %ge3A = arith.constant 50 : i32
      %ge3A_100 = arith.cmpi sge, %squeeze3A_99, %ge3A : i32
      %and3A = arith.andi %le3A_97, %ge3A_100 : i1
      %convert_element_type3A_101 = arith.extui %and3A : i1 to i32
      %cond3A_102 = arith.constant 0 : i32
      %cond3A_103 = arith.cmpi ne, %convert_element_type3A_101, %cond3A_102 : i32
      %cond3A_104 = scf.if %cond3A_103 -> (vector<16xi32>) {
        scf.yield %scan3A_88 : vector<16xi32>
      } else {
        %scan3A_107 = arith.constant 0 : i32
        %scan3A_108 = arith.constant 0 : i32
        %scan3A_109 = arith.constant 16 : i32
        %scan3A_110 = arith.addi %scan3A_108, %scan3A_109 : i32
        %scan3A_111 = arith.constant 1 : i32
        scf.for %scan3A_153 = %scan3A_108 to %scan3A_110 step %scan3A_111  : i32 {
          %mul3A_154 = arith.constant 8 : i32
          %mul3A_155 = arith.muli %scan3A_153, %mul3A_154 : i32
          %add3A_156 = arith.constant 0 : i32
          %add3A_157 = arith.addi %mul3A_155, %add3A_156 : i32
          %mul3A_158 = arith.constant 16 : i32
          %mul3A_159 = arith.muli %add3A_157, %mul3A_158 : i32
          %swap3A_160 = arith.index_cast %mul3A_159 : i32 to index
          %swap3A_161 = tpu.vector_load %arg12[%swap3A_160] {strides = array<i32>} : memref<2048xf32, #tpu.memory_space<vmem>>, vector<16xf32>,
          tpu.vector_store %arg12[%swap3A_160], %broadcast_in_dim3A_8 {strides = array<i32>} : memref<2048xf32, #tpu.memory_space<vmem>>, vector<16xf32>,
          %mul3A_162 = arith.constant 8 : i32
          %mul3A_163 = arith.muli %scan3A_153, %mul3A_162 : i32
          %add3A_164 = arith.constant 1 : i32
          %add3A_165 = arith.addi %mul3A_163, %add3A_164 : i32
          %mul3A_166 = arith.constant 16 : i32
          %mul3A_167 = arith.muli %add3A_165, %mul3A_166 : i32
          %swap3A_168 = arith.index_cast %mul3A_167 : i32 to index
          %swap3A_169 = tpu.vector_load %arg12[%swap3A_168] {strides = array<i32>} : memref<2048xf32, #tpu.memory_space<vmem>>, vector<16xf32>,
          tpu.vector_store %arg12[%swap3A_168], %broadcast_in_dim3A_8 {strides = array<i32>} : memref<2048xf32, #tpu.memory_space<vmem>>, vector<16xf32>,
          %mul3A_170 = arith.constant 8 : i32
          %mul3A_171 = arith.muli %scan3A_153, %mul3A_170 : i32
          %add3A_172 = arith.constant 2 : i32
          %add3A_173 = arith.addi %mul3A_171, %add3A_172 : i32
          %mul3A_174 = arith.constant 16 : i32
          %mul3A_175 = arith.muli %add3A_173, %mul3A_174 : i32
          %swap3A_176 = arith.index_cast %mul3A_175 : i32 to index
          %swap3A_177 = tpu.vector_load %arg12[%swap3A_176] {strides = array<i32>} : memref<2048xf32, #tpu.memory_space<vmem>>, vector<16xf32>,
          tpu.vector_store %arg12[%swap3A_176], %broadcast_in_dim3A_8 {strides = array<i32>} : memref<2048xf32, #tpu.memory_space<vmem>>, vector<16xf32>,
          %mul3A_178 = arith.constant 8 : i32
          %mul3A_179 = arith.muli %scan3A_153, %mul3A_178 : i32
          %add3A_180 = arith.constant 3 : i32
          %add3A_181 = arith.addi %mul3A_179, %add3A_180 : i32
          %mul3A_182 = arith.constant 16 : i32
          %mul3A_183 = arith.muli %add3A_181, %mul3A_182 : i32
          %swap3A_184 = arith.index_cast %mul3A_183 : i32 to index
          %swap3A_185 = tpu.vector_load %arg12[%swap3A_184] {strides = array<i32>} : memref<2048xf32, #tpu.memory_space<vmem>>, vector<16xf32>,
          tpu.vector_store %arg12[%swap3A_184], %broadcast_in_dim3A_8 {strides = array<i32>} : memref<2048xf32, #tpu.memory_space<vmem>>, vector<16xf32>,
          %mul3A_186 = arith.constant 8 : i32
          %mul3A_187 = arith.muli %scan3A_153, %mul3A_186 : i32
          %add3A_188 = arith.constant 4 : i32
          %add3A_189 = arith.addi %mul3A_187, %add3A_188 : i32
          %mul3A_190 = arith.constant 16 : i32
          %mul3A_191 = arith.muli %add3A_189, %mul3A_190 : i32
          %swap3A_192 = arith.index_cast %mul3A_191 : i32 to index
          %swap3A_193 = tpu.vector_load %arg12[%swap3A_192] {strides = array<i32>} : memref<2048xf32, #tpu.memory_space<vmem>>, vector<16xf32>,
          tpu.vector_store %arg12[%swap3A_192], %broadcast_in_dim3A_8 {strides = array<i32>} : memref<2048xf32, #tpu.memory_space<vmem>>, vector<16xf32>,
          %mul3A_194 = arith.constant 8 : i32
          %mul3A_195 = arith.muli %scan3A_153, %mul3A_194 : i32
          %add3A_196 = arith.constant 5 : i32
          %add3A_197 = arith.addi %mul3A_195, %add3A_196 : i32
          %mul3A_198 = arith.constant 16 : i32
          %mul3A_199 = arith.muli %add3A_197, %mul3A_198 : i32
          %swap3A_200 = arith.index_cast %mul3A_199 : i32 to index
          %swap3A_201 = tpu.vector_load %arg12[%swap3A_200] {strides = array<i32>} : memref<2048xf32, #tpu.memory_space<vmem>>, vector<16xf32>,
          tpu.vector_store %arg12[%swap3A_200], %broadcast_in_dim3A_8 {strides = array<i32>} : memref<2048xf32, #tpu.memory_space<vmem>>, vector<16xf32>,
          %mul3A_202 = arith.constant 8 : i32
          %mul3A_203 = arith.muli %scan3A_153, %mul3A_202 : i32
          %add3A_204 = arith.constant 6 : i32
          %add3A_205 = arith.addi %mul3A_203, %add3A_204 : i32
          %mul3A_206 = arith.constant 16 : i32
          %mul3A_207 = arith.muli %add3A_205, %mul3A_206 : i32
          %swap3A_208 = arith.index_cast %mul3A_207 : i32 to index
          %swap3A_209 = tpu.vector_load %arg12[%swap3A_208] {strides = array<i32>} : memref<2048xf32, #tpu.memory_space<vmem>>, vector<16xf32>,
          tpu.vector_store %arg12[%swap3A_208], %broadcast_in_dim3A_8 {strides = array<i32>} : memref<2048xf32, #tpu.memory_space<vmem>>, vector<16xf32>,
          %mul3A_210 = arith.constant 8 : i32
          %mul3A_211 = arith.muli %scan3A_153, %mul3A_210 : i32
          %add3A_212 = arith.constant 7 : i32
          %add3A_213 = arith.addi %mul3A_211, %add3A_212 : i32
          %mul3A_214 = arith.constant 16 : i32
          %mul3A_215 = arith.muli %add3A_213, %mul3A_214 : i32
          %swap3A_216 = arith.index_cast %mul3A_215 : i32 to index
          %swap3A_217 = tpu.vector_load %arg12[%swap3A_216] {strides = array<i32>} : memref<2048xf32, #tpu.memory_space<vmem>>, vector<16xf32>,
          tpu.vector_store %arg12[%swap3A_216], %broadcast_in_dim3A_8 {strides = array<i32>} : memref<2048xf32, #tpu.memory_space<vmem>>, vector<16xf32>,
        }
        %scan3A_112 = arith.constant 16 : i32
        %scan3A_113 = arith.constant 0 : i32
        %scan3A_114 = arith.constant 25 : i32
        %scan3A_115 = arith.addi %scan3A_113, %scan3A_114 : i32
        %scan3A_116 = arith.constant 1 : i32
        %scan3A_117 = scf.for %scan3A_153 = %scan3A_113 to %scan3A_115 step %scan3A_116 iter_args(%scan3A_154 = %broadcast_in_dim3A_4) -> (vector<16xi32>)  : i32 {
          %mul3A_155 = arith.constant 5 : i32
          %mul3A_156 = arith.muli %scan3A_153, %mul3A_155 : i32
          %add3A_157 = arith.constant 0 : i32
          %add3A_158 = arith.addi %mul3A_156, %add3A_157 : i32
          %mul3A_159 = arith.constant 16 : i32
          %mul3A_160 = arith.muli %add3A_158, %mul3A_159 : i32
          %get3A = arith.index_cast %mul3A_160 : i32 to index
          %get3A_161 = tpu.vector_load %arg11[%get3A] {strides = array<i32>} : memref<2000xf32, #tpu.memory_space<vmem>>, vector<16xf32>,
          %mul3A_162 = arith.constant 5 : i32
          %mul3A_163 = arith.muli %scan3A_153, %mul3A_162 : i32
          %add3A_164 = arith.constant 1 : i32
          %add3A_165 = arith.addi %mul3A_163, %add3A_164 : i32
          %mul3A_166 = arith.constant 16 : i32
          %mul3A_167 = arith.muli %add3A_165, %mul3A_166 : i32
          %get3A_168 = arith.index_cast %mul3A_167 : i32 to index
          %get3A_169 = tpu.vector_load %arg11[%get3A_168] {strides = array<i32>} : memref<2000xf32, #tpu.memory_space<vmem>>, vector<16xf32>,
          %mul3A_170 = arith.constant 5 : i32
          %mul3A_171 = arith.muli %scan3A_153, %mul3A_170 : i32
          %add3A_172 = arith.constant 2 : i32
          %add3A_173 = arith.addi %mul3A_171, %add3A_172 : i32
          %mul3A_174 = arith.constant 16 : i32
          %mul3A_175 = arith.muli %add3A_173, %mul3A_174 : i32
          %get3A_176 = arith.index_cast %mul3A_175 : i32 to index
          %get3A_177 = tpu.vector_load %arg11[%get3A_176] {strides = array<i32>} : memref<2000xf32, #tpu.memory_space<vmem>>, vector<16xf32>,
          %mul3A_178 = arith.constant 5 : i32
          %mul3A_179 = arith.muli %scan3A_153, %mul3A_178 : i32
          %add3A_180 = arith.constant 3 : i32
          %add3A_181 = arith.addi %mul3A_179, %add3A_180 : i32
          %mul3A_182 = arith.constant 16 : i32
          %mul3A_183 = arith.muli %add3A_181, %mul3A_182 : i32
          %get3A_184 = arith.index_cast %mul3A_183 : i32 to index
          %get3A_185 = tpu.vector_load %arg11[%get3A_184] {strides = array<i32>} : memref<2000xf32, #tpu.memory_space<vmem>>, vector<16xf32>,
          %mul3A_186 = arith.constant 5 : i32
          %mul3A_187 = arith.muli %scan3A_153, %mul3A_186 : i32
          %add3A_188 = arith.constant 4 : i32
          %add3A_189 = arith.addi %mul3A_187, %add3A_188 : i32
          %mul3A_190 = arith.constant 16 : i32
          %mul3A_191 = arith.muli %add3A_189, %mul3A_190 : i32
          %get3A_192 = arith.index_cast %mul3A_191 : i32 to index
          %get3A_193 = tpu.vector_load %arg11[%get3A_192] {strides = array<i32>} : memref<2000xf32, #tpu.memory_space<vmem>>, vector<16xf32>,
          %le3A_194 = arith.cmpf ole, %get3A_161, %bitcast_convert_type3A_90 : vector<16xf32>
          %le3A_195 = arith.cmpf ole, %get3A_169, %bitcast_convert_type3A_90 : vector<16xf32>
          %le3A_196 = arith.cmpf ole, %get3A_177, %bitcast_convert_type3A_90 : vector<16xf32>
          %le3A_197 = arith.cmpf ole, %get3A_185, %bitcast_convert_type3A_90 : vector<16xf32>
          %le3A_198 = arith.cmpf ole, %get3A_193, %bitcast_convert_type3A_90 : vector<16xf32>
          %select_n3A_199 = arith.select %le3A_194, %broadcast_in_dim3A_6, %broadcast_in_dim3A_4 : vector<16xi1>, vector<16xi32>
          %select_n3A_200 = arith.select %le3A_195, %broadcast_in_dim3A_6, %broadcast_in_dim3A_4 : vector<16xi1>, vector<16xi32>
          %select_n3A_201 = arith.select %le3A_196, %broadcast_in_dim3A_6, %broadcast_in_dim3A_4 : vector<16xi1>, vector<16xi32>
          %select_n3A_202 = arith.select %le3A_197, %broadcast_in_dim3A_6, %broadcast_in_dim3A_4 : vector<16xi1>, vector<16xi32>
          %select_n3A_203 = arith.select %le3A_198, %broadcast_in_dim3A_6, %broadcast_in_dim3A_4 : vector<16xi1>, vector<16xi32>
          %add3A_204 = arith.addi %scan3A_154, %select_n3A_199 : vector<16xi32>
          %add3A_205 = arith.addi %add3A_204, %select_n3A_200 : vector<16xi32>
          %add3A_206 = arith.addi %add3A_205, %select_n3A_201 : vector<16xi32>
          %add3A_207 = arith.addi %add3A_206, %select_n3A_202 : vector<16xi32>
          %add3A_208 = arith.addi %mul3A_3, %scan3A_154 : vector<16xi32>
          tpu.vector_store_idx %arg12[%add3A_208], %get3A_161 masked %le3A_194 : memref<2048xf32, #tpu.memory_space<vmem>>[vector<16xi32>], vector<16xf32>, vector<16xi1>
          %add3A_209 = arith.addi %mul3A_3, %add3A_204 : vector<16xi32>
          tpu.vector_store_idx %arg12[%add3A_209], %get3A_169 masked %le3A_195 : memref<2048xf32, #tpu.memory_space<vmem>>[vector<16xi32>], vector<16xf32>, vector<16xi1>
          %add3A_210 = arith.addi %mul3A_3, %add3A_205 : vector<16xi32>
          tpu.vector_store_idx %arg12[%add3A_210], %get3A_177 masked %le3A_196 : memref<2048xf32, #tpu.memory_space<vmem>>[vector<16xi32>], vector<16xf32>, vector<16xi1>
          %add3A_211 = arith.addi %mul3A_3, %add3A_206 : vector<16xi32>
          tpu.vector_store_idx %arg12[%add3A_211], %get3A_185 masked %le3A_197 : memref<2048xf32, #tpu.memory_space<vmem>>[vector<16xi32>], vector<16xf32>, vector<16xi1>
          %add3A_212 = arith.addi %mul3A_3, %add3A_207 : vector<16xi32>
          tpu.vector_store_idx %arg12[%add3A_212], %get3A_193 masked %le3A_198 : memref<2048xf32, #tpu.memory_space<vmem>>[vector<16xi32>], vector<16xf32>, vector<16xi1>
          %add3A_213 = arith.addi %add3A_207, %select_n3A_203 : vector<16xi32>
          scf.yield %add3A_213 : vector<16xi32>
        }
        %scan3A_118 = arith.constant 25 : i32
        %reduce_max3A = arith.constant true
        %reduce_max3A_119 = vector.broadcast %reduce_max3A : i1 to vector<16xi1>
        %reduce_max3A_120 = arith.constant -2147483648 : i32
        %reduce_max3A_121 = vector.broadcast %reduce_max3A_120 : i32 to vector<16xi32>
        %reduce_max3A_122 = arith.xori %scan3A_117, %reduce_max3A_121 : vector<16xi32>
        %reduce_max3A_123 = tpu.scan <max>, %reduce_max3A_122 masked %reduce_max3A_119 : vector<16xi32>, vector<16xi1> -> vector<16xi32>
        %reduce_max3A_124 = arith.xori %reduce_max3A_123, %reduce_max3A_121 : vector<16xi32>
        %reduce_max3A_125 = vector.extract %reduce_max3A_124[15] : i32 from vector<16xi32>
        %add3A_126 = arith.constant 1 : i32
        %add3A_127 = arith.addi %reduce_max3A_125, %add3A_126 : i32
        %jit3A_128 = arith.constant 2 : i32
        %div3A = arith.divsi %add3A_127, %jit3A_128 : i32
        %sign3A = arith.constant 0 : i32
        %sign3A_129 = arith.cmpi sgt, %add3A_127, %sign3A : i32
        %sign3A_130 = arith.extui %sign3A_129 : i1 to i32
        %sign3A_131 = arith.constant 0 : i32
        %sign3A_132 = arith.cmpi slt, %add3A_127, %sign3A_131 : i32
        %sign3A_133 = arith.extui %sign3A_132 : i1 to i32
        %sign3A_134 = arith.subi %sign3A_130, %sign3A_133 : i32
        %sign3A_135 = arith.constant 0 : i32
        %sign3A_136 = arith.cmpi sgt, %jit3A_128, %sign3A_135 : i32
        %sign3A_137 = arith.extui %sign3A_136 : i1 to i32
        %sign3A_138 = arith.constant 0 : i32
        %sign3A_139 = arith.cmpi slt, %jit3A_128, %sign3A_138 : i32
        %sign3A_140 = arith.extui %sign3A_139 : i1 to i32
        %sign3A_141 = arith.subi %sign3A_137, %sign3A_140 : i32
        %ne3A = arith.cmpi ne, %sign3A_134, %sign3A_141 : i32
        %rem3A = arith.remsi %add3A_127, %jit3A_128 : i32
        %ne3A_142 = arith.constant 0 : i32
        %ne3A_143 = arith.cmpi ne, %rem3A, %ne3A_142 : i32
        %and3A_144 = arith.andi %ne3A, %ne3A_143 : i1
        %sub3A = arith.constant 1 : i32
        %sub3A_145 = arith.subi %div3A, %sub3A : i32
        %select_n3A_146 = arith.select %and3A_144, %sub3A_145, %div3A : i32
        %scan3A_147 = arith.constant 0 : i32
        %scan3A_148 = arith.constant 31 : i32
        %scan3A_149 = arith.addi %scan3A_147, %scan3A_148 : i32
        %scan3A_150 = arith.constant 1 : i32
        %scan3A_151 = scf.for %scan3A_153 = %scan3A_147 to %scan3A_149 step %scan3A_150 iter_args(%scan3A_154 = %broadcast_in_dim3A_4) -> (vector<16xi32>)  : i32 {
          %broadcast_in_dim3A_155 = arith.constant 1 : i32
          %broadcast_in_dim3A_156 = vector.broadcast %broadcast_in_dim3A_155 : i32 to vector<16xi32>
          %broadcast_in_dim3A_157 = arith.constant 30 : i32
          %broadcast_in_dim3A_158 = vector.broadcast %broadcast_in_dim3A_157 : i32 to vector<16xi32>
          %sub3A_159 = vector.broadcast %scan3A_153 : i32 to vector<16xi32>
          %sub3A_160 = arith.subi %broadcast_in_dim3A_158, %sub3A_159 : vector<16xi32>
          %shift_left3A = arith.shli %broadcast_in_dim3A_156, %sub3A_160 : vector<16xi32>
          %or3A = arith.ori %scan3A_154, %shift_left3A : vector<16xi32>
          %while3A_161 = arith.constant 0 : i32
          %while3A_162 = arith.subi %select_n3A_146, %while3A_161 : i32
          %while3A_163 = arith.addi %while3A_161, %while3A_162 : i32
          %while3A_164 = arith.constant 1 : i32
          %while3A_165 = arith.divsi %while3A_162, %while3A_164 : i32
          %while3A_166 = arith.muli %while3A_165, %while3A_164 : i32
          %while3A_167 = arith.addi %while3A_161, %while3A_166 : i32
          %while3A_168 = arith.constant 1 : i32
          %while3A_169 = scf.for %while3A_174 = %while3A_161 to %while3A_167 step %while3A_168 iter_args(%while3A_175 = %broadcast_in_dim3A_4) -> (vector<16xi32>)  : i32 {
            %mul3A_176 = arith.constant 2 : i32
            %mul3A_177 = arith.muli %mul3A_176, %while3A_174 : i32
            %add3A_178 = vector.broadcast %mul3A_177 : i32 to vector<16xi32>
            %add3A_179 = arith.addi %mul3A_3, %add3A_178 : vector<16xi32>
            %gather3A_180 = tpu.vector_load_idx %arg12[%add3A_179] : memref<2048xf32, #tpu.memory_space<vmem>>[vector<16xi32>], vector<16xf32>,
            %bitcast_convert_type3A_181 = tpu.bitcast %gather3A_180 : vector<16xf32> -> vector<16xi32>
            %mul3A_182 = arith.constant 2 : i32
            %mul3A_183 = arith.muli %mul3A_182, %while3A_174 : i32
            %add3A_184 = vector.broadcast %mul3A_183 : i32 to vector<16xi32>
            %add3A_185 = arith.addi %mul3A_3, %add3A_184 : vector<16xi32>
            %add3A_186 = arith.constant 1 : i32
            %add3A_187 = vector.broadcast %add3A_186 : i32 to vector<16xi32>
            %add3A_188 = arith.addi %add3A_185, %add3A_187 : vector<16xi32>
            %gather3A_189 = tpu.vector_load_idx %arg12[%add3A_188] : memref<2048xf32, #tpu.memory_space<vmem>>[vector<16xi32>], vector<16xf32>,
            %bitcast_convert_type3A_190 = tpu.bitcast %gather3A_189 : vector<16xf32> -> vector<16xi32>
            %lt3A_191 = arith.cmpi slt, %bitcast_convert_type3A_181, %or3A : vector<16xi32>
            %all_reduce_population_count3A = tpu.all_reduce %lt3A_191 {dim = 0 : i64, kind = #tpu.reduction_kind<sum>} : vector<16xi1> -> vector<16xi32>
            %lt3A_192 = arith.cmpi slt, %bitcast_convert_type3A_190, %or3A : vector<16xi32>
            %all_reduce_population_count3A_193 = tpu.all_reduce %lt3A_192 {dim = 0 : i64, kind = #tpu.reduction_kind<sum>} : vector<16xi1> -> vector<16xi32>
            %add3A_194 = arith.addi %while3A_175, %all_reduce_population_count3A : vector<16xi32>
            %add3A_195 = arith.addi %add3A_194, %all_reduce_population_count3A_193 : vector<16xi32>
            scf.yield %add3A_195 : vector<16xi32>
          }
          %while3A_170 = arith.constant 1 : i32
          %while3A_171 = scf.for %while3A_174 = %while3A_167 to %while3A_163 step %while3A_170 iter_args(%while3A_175 = %while3A_169) -> (vector<16xi32>)  : i32 {
            %mul3A_176 = arith.constant 2 : i32
            %mul3A_177 = arith.muli %mul3A_176, %while3A_174 : i32
            %add3A_178 = vector.broadcast %mul3A_177 : i32 to vector<16xi32>
            %add3A_179 = arith.addi %mul3A_3, %add3A_178 : vector<16xi32>
            %gather3A_180 = tpu.vector_load_idx %arg12[%add3A_179] : memref<2048xf32, #tpu.memory_space<vmem>>[vector<16xi32>], vector<16xf32>,
            %bitcast_convert_type3A_181 = tpu.bitcast %gather3A_180 : vector<16xf32> -> vector<16xi32>
            %mul3A_182 = arith.constant 2 : i32
            %mul3A_183 = arith.muli %mul3A_182, %while3A_174 : i32
            %add3A_184 = vector.broadcast %mul3A_183 : i32 to vector<16xi32>
            %add3A_185 = arith.addi %mul3A_3, %add3A_184 : vector<16xi32>
            %add3A_186 = arith.constant 1 : i32
            %add3A_187 = vector.broadcast %add3A_186 : i32 to vector<16xi32>
            %add3A_188 = arith.addi %add3A_185, %add3A_187 : vector<16xi32>
            %gather3A_189 = tpu.vector_load_idx %arg12[%add3A_188] : memref<2048xf32, #tpu.memory_space<vmem>>[vector<16xi32>], vector<16xf32>,
            %bitcast_convert_type3A_190 = tpu.bitcast %gather3A_189 : vector<16xf32> -> vector<16xi32>
            %lt3A_191 = arith.cmpi slt, %bitcast_convert_type3A_181, %or3A : vector<16xi32>
            %all_reduce_population_count3A = tpu.all_reduce %lt3A_191 {dim = 0 : i64, kind = #tpu.reduction_kind<sum>} : vector<16xi1> -> vector<16xi32>
            %lt3A_192 = arith.cmpi slt, %bitcast_convert_type3A_190, %or3A : vector<16xi32>
            %all_reduce_population_count3A_193 = tpu.all_reduce %lt3A_192 {dim = 0 : i64, kind = #tpu.reduction_kind<sum>} : vector<16xi1> -> vector<16xi32>
            %add3A_194 = arith.addi %while3A_175, %all_reduce_population_count3A : vector<16xi32>
            %add3A_195 = arith.addi %add3A_194, %all_reduce_population_count3A_193 : vector<16xi32>
            scf.yield %add3A_195 : vector<16xi32>
          }
          %ge3A_172 = arith.cmpi sge, %while3A_171, %broadcast_in_dim3A_83 : vector<16xi32>
          %select_n3A_173 = arith.select %ge3A_172, %scan3A_154, %or3A : vector<16xi1>, vector<16xi32>
          scf.yield %select_n3A_173 : vector<16xi32>
        }
        %scan3A_152 = arith.constant 31 : i32
        scf.yield %scan3A_151 : vector<16xi32>
      }
      %bitcast_convert_type3A_105 = tpu.bitcast %cond3A_104 : vector<16xi32> -> vector<16xf32>
      %swap3A = arith.constant 0 : index
      %swap3A_106 = tpu.vector_load %arg14[%swap3A] {strides = array<i32>} : memref<16xf32, #tpu.memory_space<vmem>>, vector<16xf32>,
      tpu.vector_store %arg14[%swap3A], %bitcast_convert_type3A_105 {strides = array<i32>} : memref<16xf32, #tpu.memory_space<vmem>>, vector<16xf32>,
      "tpu.region"() ({
        %run_scoped3A = tpu.sem_alloc : memref<!tpu.dma_semaphore, #tpu.memory_space<semaphore_mem>>
        %dma_start3A_107 = arith.constant 0 : i32
        %dma_start3A_108 = tpu.memref_slice %arg6[%add3A_44, %dma_start3A_107] : memref<50x2000xf32, #tpu.memory_space<hbm>> -> memref<1x2000xf32, #tpu.memory_space<hbm>>
        %dma_start3A_109 = tpu.memref_squeeze %dma_start3A_108 : memref<1x2000xf32, #tpu.memory_space<hbm>> -> memref<2000xf32, #tpu.memory_space<hbm>>
        %dma_start3A_110 = arith.constant 0 : i32
        %dma_start3A_111 = tpu.memref_slice %arg6[%add3A_44, %dma_start3A_110] : memref<50x2000xf32, #tpu.memory_space<hbm>> -> memref<1x2000xf32, #tpu.memory_space<hbm>>
        %dma_start3A_112 = tpu.memref_squeeze %dma_start3A_111 : memref<1x2000xf32, #tpu.memory_space<hbm>> -> memref<2000xf32, #tpu.memory_space<hbm>>
        tpu.enqueue_dma source(%arg11 : memref<2000xf32, #tpu.memory_space<vmem>>) target(%dma_start3A_112 : memref<2000xf32, #tpu.memory_space<hbm>>) target_semaphore(%run_scoped3A : memref<!tpu.dma_semaphore, #tpu.memory_space<semaphore_mem>>)
        %dma_wait3A_113 = arith.constant 0 : i32
        %dma_wait3A_114 = tpu.memref_slice %arg6[%add3A_44, %dma_wait3A_113] : memref<50x2000xf32, #tpu.memory_space<hbm>> -> memref<1x2000xf32, #tpu.memory_space<hbm>>
        %dma_wait3A_115 = tpu.memref_squeeze %dma_wait3A_114 : memref<1x2000xf32, #tpu.memory_space<hbm>> -> memref<2000xf32, #tpu.memory_space<hbm>>
        %dma_wait3A_116 = arith.constant 0 : i32
        %dma_wait3A_117 = tpu.memref_slice %arg6[%add3A_44, %dma_wait3A_116] : memref<50x2000xf32, #tpu.memory_space<hbm>> -> memref<1x2000xf32, #tpu.memory_space<hbm>>
        %dma_wait3A_118 = tpu.memref_squeeze %dma_wait3A_117 : memref<1x2000xf32, #tpu.memory_space<hbm>> -> memref<2000xf32, #tpu.memory_space<hbm>>
        tpu.wait_dma2 semaphore(%run_scoped3A : memref<!tpu.dma_semaphore, #tpu.memory_space<semaphore_mem>>) src(%arg11 : memref<2000xf32, #tpu.memory_space<vmem>>) dst(%dma_wait3A_118 : memref<2000xf32, #tpu.memory_space<hbm>>)
        tpu.yield
      }) : () -> ()
      "tpu.region"() ({
        %run_scoped3A = tpu.sem_alloc : memref<!tpu.dma_semaphore, #tpu.memory_space<semaphore_mem>>
        %dma_start3A_107 = arith.constant 0 : i32
        %dma_start3A_108 = tpu.memref_slice %arg7[%add3A_44, %dma_start3A_107] : memref<50x16xf32, #tpu.memory_space<hbm>> -> memref<1x16xf32, #tpu.memory_space<hbm>>
        %dma_start3A_109 = tpu.memref_squeeze %dma_start3A_108 : memref<1x16xf32, #tpu.memory_space<hbm>> -> memref<16xf32, #tpu.memory_space<hbm>>
        %dma_start3A_110 = arith.constant 0 : i32
        %dma_start3A_111 = tpu.memref_slice %arg7[%add3A_44, %dma_start3A_110] : memref<50x16xf32, #tpu.memory_space<hbm>> -> memref<1x16xf32, #tpu.memory_space<hbm>>
        %dma_start3A_112 = tpu.memref_squeeze %dma_start3A_111 : memref<1x16xf32, #tpu.memory_space<hbm>> -> memref<16xf32, #tpu.memory_space<hbm>>
        tpu.enqueue_dma source(%arg14 : memref<16xf32, #tpu.memory_space<vmem>>) target(%dma_start3A_112 : memref<16xf32, #tpu.memory_space<hbm>>) target_semaphore(%run_scoped3A : memref<!tpu.dma_semaphore, #tpu.memory_space<semaphore_mem>>)
        %dma_wait3A_113 = arith.constant 0 : i32
        %dma_wait3A_114 = tpu.memref_slice %arg7[%add3A_44, %dma_wait3A_113] : memref<50x16xf32, #tpu.memory_space<hbm>> -> memref<1x16xf32, #tpu.memory_space<hbm>>
        %dma_wait3A_115 = tpu.memref_squeeze %dma_wait3A_114 : memref<1x16xf32, #tpu.memory_space<hbm>> -> memref<16xf32, #tpu.memory_space<hbm>>
        %dma_wait3A_116 = arith.constant 0 : i32
        %dma_wait3A_117 = tpu.memref_slice %arg7[%add3A_44, %dma_wait3A_116] : memref<50x16xf32, #tpu.memory_space<hbm>> -> memref<1x16xf32, #tpu.memory_space<hbm>>
        %dma_wait3A_118 = tpu.memref_squeeze %dma_wait3A_117 : memref<1x16xf32, #tpu.memory_space<hbm>> -> memref<16xf32, #tpu.memory_space<hbm>>
        tpu.wait_dma2 semaphore(%run_scoped3A : memref<!tpu.dma_semaphore, #tpu.memory_space<semaphore_mem>>) src(%arg14 : memref<16xf32, #tpu.memory_space<vmem>>) dst(%dma_wait3A_118 : memref<16xf32, #tpu.memory_space<hbm>>)
        tpu.yield
      }) : () -> ()
    }
    %while3A_40 = arith.constant 1 : i32
    scf.for %while3A_41 = %while3A_38 to %while3A_34 step %while3A_40  : i32 {
      %mul3A_42 = arith.constant 32 : i32
      %mul3A_43 = arith.muli %mul3A_42, %while3A_41 : i32
      %add3A_44 = arith.addi %add3A, %mul3A_43 : i32
      %add3A_45 = arith.constant 1 : i32
      %add3A_46 = arith.addi %while3A_41, %add3A_45 : i32
      %lt3A_47 = arith.cmpi slt, %add3A_46, %add3A_14 : i32
      %dma_wait3A = arith.constant 0 : i32
      %dma_wait3A_48 = tpu.memref_slice %arg2[%add3A_44, %dma_wait3A] : memref<50x2000xf32, #tpu.memory_space<hbm>> -> memref<1x2000xf32, #tpu.memory_space<hbm>>
      %dma_wait3A_49 = tpu.memref_squeeze %dma_wait3A_48 : memref<1x2000xf32, #tpu.memory_space<hbm>> -> memref<2000xf32, #tpu.memory_space<hbm>>
      %dma_wait3A_50 = arith.constant 0 : i32
      %dma_wait3A_51 = tpu.memref_slice %arg2[%add3A_44, %dma_wait3A_50] : memref<50x2000xf32, #tpu.memory_space<hbm>> -> memref<1x2000xf32, #tpu.memory_space<hbm>>
      %dma_wait3A_52 = tpu.memref_squeeze %dma_wait3A_51 : memref<1x2000xf32, #tpu.memory_space<hbm>> -> memref<2000xf32, #tpu.memory_space<hbm>>
      tpu.wait_dma2 semaphore(%arg15 : memref<!tpu.dma_semaphore, #tpu.memory_space<semaphore_mem>>) src(%dma_wait3A_52 : memref<2000xf32, #tpu.memory_space<hbm>>) dst(%arg8 : memref<2000xf32, #tpu.memory_space<vmem>>)
      %dma_wait3A_53 = arith.constant 0 : i32
      %dma_wait3A_54 = tpu.memref_slice %arg3[%add3A_44, %dma_wait3A_53] : memref<50x2000xf32, #tpu.memory_space<hbm>> -> memref<1x2000xf32, #tpu.memory_space<hbm>>
      %dma_wait3A_55 = tpu.memref_squeeze %dma_wait3A_54 : memref<1x2000xf32, #tpu.memory_space<hbm>> -> memref<2000xf32, #tpu.memory_space<hbm>>
      %dma_wait3A_56 = arith.constant 0 : i32
      %dma_wait3A_57 = tpu.memref_slice %arg3[%add3A_44, %dma_wait3A_56] : memref<50x2000xf32, #tpu.memory_space<hbm>> -> memref<1x2000xf32, #tpu.memory_space<hbm>>
      %dma_wait3A_58 = tpu.memref_squeeze %dma_wait3A_57 : memref<1x2000xf32, #tpu.memory_space<hbm>> -> memref<2000xf32, #tpu.memory_space<hbm>>
      tpu.wait_dma2 semaphore(%arg15 : memref<!tpu.dma_semaphore, #tpu.memory_space<semaphore_mem>>) src(%dma_wait3A_58 : memref<2000xf32, #tpu.memory_space<hbm>>) dst(%arg9 : memref<2000xf32, #tpu.memory_space<vmem>>)
      %dma_wait3A_59 = arith.constant 0 : i32
      %dma_wait3A_60 = tpu.memref_slice %arg4[%add3A_44, %dma_wait3A_59] : memref<50x2000xf32, #tpu.memory_space<hbm>> -> memref<1x2000xf32, #tpu.memory_space<hbm>>
      %dma_wait3A_61 = tpu.memref_squeeze %dma_wait3A_60 : memref<1x2000xf32, #tpu.memory_space<hbm>> -> memref<2000xf32, #tpu.memory_space<hbm>>
      %dma_wait3A_62 = arith.constant 0 : i32
      %dma_wait3A_63 = tpu.memref_slice %arg4[%add3A_44, %dma_wait3A_62] : memref<50x2000xf32, #tpu.memory_space<hbm>> -> memref<1x2000xf32, #tpu.memory_space<hbm>>
      %dma_wait3A_64 = tpu.memref_squeeze %dma_wait3A_63 : memref<1x2000xf32, #tpu.memory_space<hbm>> -> memref<2000xf32, #tpu.memory_space<hbm>>
      tpu.wait_dma2 semaphore(%arg15 : memref<!tpu.dma_semaphore, #tpu.memory_space<semaphore_mem>>) src(%dma_wait3A_64 : memref<2000xf32, #tpu.memory_space<hbm>>) dst(%arg10 : memref<2000xf32, #tpu.memory_space<vmem>>)
      %broadcast_in_dim3A_65 = vector.broadcast %add3A_44 : i32 to vector<16xi32>
      %gather3A = tpu.vector_load_idx %arg13[%broadcast_in_dim3A_65] : memref<50xi32, #tpu.memory_space<vmem>>[vector<16xi32>], vector<16xi32>,
      %gather3A_66 = tpu.vector_load_idx %arg8[%gather3A] : memref<2000xf32, #tpu.memory_space<vmem>>[vector<16xi32>], vector<16xf32>,
      %gather3A_67 = tpu.vector_load_idx %arg9[%gather3A] : memref<2000xf32, #tpu.memory_space<vmem>>[vector<16xi32>], vector<16xf32>,
      %gather3A_68 = tpu.vector_load_idx %arg10[%gather3A] : memref<2000xf32, #tpu.memory_space<vmem>>[vector<16xi32>], vector<16xf32>,
      %scan3A = arith.constant 0 : i32
      %scan3A_69 = arith.constant 25 : i32
      %scan3A_70 = arith.addi %scan3A, %scan3A_69 : i32
      %scan3A_71 = arith.constant 1 : i32
      %scan3A_72:8 = scf.for %scan3A_107 = %scan3A to %scan3A_70 step %scan3A_71 iter_args(%scan3A_108 = %broadcast_in_dim3A_8, %scan3A_109 = %broadcast_in_dim3A_8, %scan3A_110 = %broadcast_in_dim3A_8, %scan3A_111 = %broadcast_in_dim3A_8, %scan3A_112 = %broadcast_in_dim3A_8, %scan3A_113 = %broadcast_in_dim3A_8, %scan3A_114 = %broadcast_in_dim3A_8, %scan3A_115 = %broadcast_in_dim3A_8) -> (vector<16xf32>, vector<16xf32>, vector<16xf32>, vector<16xf32>, vector<16xf32>, vector<16xf32>, vector<16xf32>, vector<16xf32>)  : i32 {
        %mul3A_116 = arith.constant 5 : i32
        %mul3A_117 = arith.muli %scan3A_107, %mul3A_116 : i32
        %add3A_118 = arith.constant 0 : i32
        %add3A_119 = arith.addi %mul3A_117, %add3A_118 : i32
        %mul3A_120 = arith.constant 16 : i32
        %mul3A_121 = arith.muli %add3A_119, %mul3A_120 : i32
        %get3A = arith.index_cast %mul3A_121 : i32 to index
        %get3A_122 = tpu.vector_load %arg8[%get3A] {strides = array<i32>} : memref<2000xf32, #tpu.memory_space<vmem>>, vector<16xf32>,
        %sub3A = arith.subf %get3A_122, %gather3A_66 : vector<16xf32>
        %mul3A_123 = arith.constant 16 : i32
        %mul3A_124 = arith.muli %add3A_119, %mul3A_123 : i32
        %get3A_125 = arith.index_cast %mul3A_124 : i32 to index
        %get3A_126 = tpu.vector_load %arg9[%get3A_125] {strides = array<i32>} : memref<2000xf32, #tpu.memory_space<vmem>>, vector<16xf32>,
        %sub3A_127 = arith.subf %get3A_126, %gather3A_67 : vector<16xf32>
        %mul3A_128 = arith.constant 16 : i32
        %mul3A_129 = arith.muli %add3A_119, %mul3A_128 : i32
        %get3A_130 = arith.index_cast %mul3A_129 : i32 to index
        %get3A_131 = tpu.vector_load %arg10[%get3A_130] {strides = array<i32>} : memref<2000xf32, #tpu.memory_space<vmem>>, vector<16xf32>,
        %sub3A_132 = arith.subf %get3A_131, %gather3A_68 : vector<16xf32>
        %mul3A_133 = arith.mulf %sub3A, %sub3A : vector<16xf32>
        %mul3A_134 = arith.mulf %sub3A_127, %sub3A_127 : vector<16xf32>
        %add3A_135 = arith.addf %mul3A_133, %mul3A_134 : vector<16xf32>
        %mul3A_136 = arith.mulf %sub3A_132, %sub3A_132 : vector<16xf32>
        %add3A_137 = arith.addf %add3A_135, %mul3A_136 : vector<16xf32>
        %add3A_138 = arith.constant 9.99999996E-13 : f32
        %add3A_139 = vector.broadcast %add3A_138 : f32 to vector<16xf32>
        %add3A_140 = arith.addf %add3A_137, %add3A_139 : vector<16xf32>
        %mul3A_141 = arith.constant 16 : i32
        %mul3A_142 = arith.muli %add3A_119, %mul3A_141 : i32
        %swap3A_143 = arith.index_cast %mul3A_142 : i32 to index
        %swap3A_144 = tpu.vector_load %arg11[%swap3A_143] {strides = array<i32>} : memref<2000xf32, #tpu.memory_space<vmem>>, vector<16xf32>,
        tpu.vector_store %arg11[%swap3A_143], %add3A_140 {strides = array<i32>} : memref<2000xf32, #tpu.memory_space<vmem>>, vector<16xf32>,
        %max3A = arith.maximumf %scan3A_114, %add3A_140 : vector<16xf32>
        %min3A = arith.minimumf %scan3A_115, %max3A : vector<16xf32>
        %max3A_145 = arith.maximumf %scan3A_113, %add3A_140 : vector<16xf32>
        %min3A_146 = arith.minimumf %scan3A_114, %max3A_145 : vector<16xf32>
        %max3A_147 = arith.maximumf %scan3A_112, %add3A_140 : vector<16xf32>
        %min3A_148 = arith.minimumf %scan3A_113, %max3A_147 : vector<16xf32>
        %max3A_149 = arith.maximumf %scan3A_111, %add3A_140 : vector<16xf32>
        %min3A_150 = arith.minimumf %scan3A_112, %max3A_149 : vector<16xf32>
        %max3A_151 = arith.maximumf %scan3A_110, %add3A_140 : vector<16xf32>
        %min3A_152 = arith.minimumf %scan3A_111, %max3A_151 : vector<16xf32>
        %max3A_153 = arith.maximumf %scan3A_109, %add3A_140 : vector<16xf32>
        %min3A_154 = arith.minimumf %scan3A_110, %max3A_153 : vector<16xf32>
        %max3A_155 = arith.maximumf %scan3A_108, %add3A_140 : vector<16xf32>
        %min3A_156 = arith.minimumf %scan3A_109, %max3A_155 : vector<16xf32>
        %min3A_157 = arith.minimumf %scan3A_108, %add3A_140 : vector<16xf32>
        %mul3A_158 = arith.constant 5 : i32
        %mul3A_159 = arith.muli %scan3A_107, %mul3A_158 : i32
        %add3A_160 = arith.constant 1 : i32
        %add3A_161 = arith.addi %mul3A_159, %add3A_160 : i32
        %mul3A_162 = arith.constant 16 : i32
        %mul3A_163 = arith.muli %add3A_161, %mul3A_162 : i32
        %get3A_164 = arith.index_cast %mul3A_163 : i32 to index
        %get3A_165 = tpu.vector_load %arg8[%get3A_164] {strides = array<i32>} : memref<2000xf32, #tpu.memory_space<vmem>>, vector<16xf32>,
        %sub3A_166 = arith.subf %get3A_165, %gather3A_66 : vector<16xf32>
        %mul3A_167 = arith.constant 16 : i32
        %mul3A_168 = arith.muli %add3A_161, %mul3A_167 : i32
        %get3A_169 = arith.index_cast %mul3A_168 : i32 to index
        %get3A_170 = tpu.vector_load %arg9[%get3A_169] {strides = array<i32>} : memref<2000xf32, #tpu.memory_space<vmem>>, vector<16xf32>,
        %sub3A_171 = arith.subf %get3A_170, %gather3A_67 : vector<16xf32>
        %mul3A_172 = arith.constant 16 : i32
        %mul3A_173 = arith.muli %add3A_161, %mul3A_172 : i32
        %get3A_174 = arith.index_cast %mul3A_173 : i32 to index
        %get3A_175 = tpu.vector_load %arg10[%get3A_174] {strides = array<i32>} : memref<2000xf32, #tpu.memory_space<vmem>>, vector<16xf32>,
        %sub3A_176 = arith.subf %get3A_175, %gather3A_68 : vector<16xf32>
        %mul3A_177 = arith.mulf %sub3A_166, %sub3A_166 : vector<16xf32>
        %mul3A_178 = arith.mulf %sub3A_171, %sub3A_171 : vector<16xf32>
        %add3A_179 = arith.addf %mul3A_177, %mul3A_178 : vector<16xf32>
        %mul3A_180 = arith.mulf %sub3A_176, %sub3A_176 : vector<16xf32>
        %add3A_181 = arith.addf %add3A_179, %mul3A_180 : vector<16xf32>
        %add3A_182 = arith.constant 9.99999996E-13 : f32
        %add3A_183 = vector.broadcast %add3A_182 : f32 to vector<16xf32>
        %add3A_184 = arith.addf %add3A_181, %add3A_183 : vector<16xf32>
        %mul3A_185 = arith.constant 16 : i32
        %mul3A_186 = arith.muli %add3A_161, %mul3A_185 : i32
        %swap3A_187 = arith.index_cast %mul3A_186 : i32 to index
        %swap3A_188 = tpu.vector_load %arg11[%swap3A_187] {strides = array<i32>} : memref<2000xf32, #tpu.memory_space<vmem>>, vector<16xf32>,
        tpu.vector_store %arg11[%swap3A_187], %add3A_184 {strides = array<i32>} : memref<2000xf32, #tpu.memory_space<vmem>>, vector<16xf32>,
        %max3A_189 = arith.maximumf %min3A_146, %add3A_184 : vector<16xf32>
        %min3A_190 = arith.minimumf %min3A, %max3A_189 : vector<16xf32>
        %max3A_191 = arith.maximumf %min3A_148, %add3A_184 : vector<16xf32>
        %min3A_192 = arith.minimumf %min3A_146, %max3A_191 : vector<16xf32>
        %max3A_193 = arith.maximumf %min3A_150, %add3A_184 : vector<16xf32>
        %min3A_194 = arith.minimumf %min3A_148, %max3A_193 : vector<16xf32>
        %max3A_195 = arith.maximumf %min3A_152, %add3A_184 : vector<16xf32>
        %min3A_196 = arith.minimumf %min3A_150, %max3A_195 : vector<16xf32>
        %max3A_197 = arith.maximumf %min3A_154, %add3A_184 : vector<16xf32>
        %min3A_198 = arith.minimumf %min3A_152, %max3A_197 : vector<16xf32>
        %max3A_199 = arith.maximumf %min3A_156, %add3A_184 : vector<16xf32>
        %min3A_200 = arith.minimumf %min3A_154, %max3A_199 : vector<16xf32>
        %max3A_201 = arith.maximumf %min3A_157, %add3A_184 : vector<16xf32>
        %min3A_202 = arith.minimumf %min3A_156, %max3A_201 : vector<16xf32>
        %min3A_203 = arith.minimumf %min3A_157, %add3A_184 : vector<16xf32>
        %mul3A_204 = arith.constant 5 : i32
        %mul3A_205 = arith.muli %scan3A_107, %mul3A_204 : i32
        %add3A_206 = arith.constant 2 : i32
        %add3A_207 = arith.addi %mul3A_205, %add3A_206 : i32
        %mul3A_208 = arith.constant 16 : i32
        %mul3A_209 = arith.muli %add3A_207, %mul3A_208 : i32
        %get3A_210 = arith.index_cast %mul3A_209 : i32 to index
        %get3A_211 = tpu.vector_load %arg8[%get3A_210] {strides = array<i32>} : memref<2000xf32, #tpu.memory_space<vmem>>, vector<16xf32>,
        %sub3A_212 = arith.subf %get3A_211, %gather3A_66 : vector<16xf32>
        %mul3A_213 = arith.constant 16 : i32
        %mul3A_214 = arith.muli %add3A_207, %mul3A_213 : i32
        %get3A_215 = arith.index_cast %mul3A_214 : i32 to index
        %get3A_216 = tpu.vector_load %arg9[%get3A_215] {strides = array<i32>} : memref<2000xf32, #tpu.memory_space<vmem>>, vector<16xf32>,
        %sub3A_217 = arith.subf %get3A_216, %gather3A_67 : vector<16xf32>
        %mul3A_218 = arith.constant 16 : i32
        %mul3A_219 = arith.muli %add3A_207, %mul3A_218 : i32
        %get3A_220 = arith.index_cast %mul3A_219 : i32 to index
        %get3A_221 = tpu.vector_load %arg10[%get3A_220] {strides = array<i32>} : memref<2000xf32, #tpu.memory_space<vmem>>, vector<16xf32>,
        %sub3A_222 = arith.subf %get3A_221, %gather3A_68 : vector<16xf32>
        %mul3A_223 = arith.mulf %sub3A_212, %sub3A_212 : vector<16xf32>
        %mul3A_224 = arith.mulf %sub3A_217, %sub3A_217 : vector<16xf32>
        %add3A_225 = arith.addf %mul3A_223, %mul3A_224 : vector<16xf32>
        %mul3A_226 = arith.mulf %sub3A_222, %sub3A_222 : vector<16xf32>
        %add3A_227 = arith.addf %add3A_225, %mul3A_226 : vector<16xf32>
        %add3A_228 = arith.constant 9.99999996E-13 : f32
        %add3A_229 = vector.broadcast %add3A_228 : f32 to vector<16xf32>
        %add3A_230 = arith.addf %add3A_227, %add3A_229 : vector<16xf32>
        %mul3A_231 = arith.constant 16 : i32
        %mul3A_232 = arith.muli %add3A_207, %mul3A_231 : i32
        %swap3A_233 = arith.index_cast %mul3A_232 : i32 to index
        %swap3A_234 = tpu.vector_load %arg11[%swap3A_233] {strides = array<i32>} : memref<2000xf32, #tpu.memory_space<vmem>>, vector<16xf32>,
        tpu.vector_store %arg11[%swap3A_233], %add3A_230 {strides = array<i32>} : memref<2000xf32, #tpu.memory_space<vmem>>, vector<16xf32>,
        %max3A_235 = arith.maximumf %min3A_192, %add3A_230 : vector<16xf32>
        %min3A_236 = arith.minimumf %min3A_190, %max3A_235 : vector<16xf32>
        %max3A_237 = arith.maximumf %min3A_194, %add3A_230 : vector<16xf32>
        %min3A_238 = arith.minimumf %min3A_192, %max3A_237 : vector<16xf32>
        %max3A_239 = arith.maximumf %min3A_196, %add3A_230 : vector<16xf32>
        %min3A_240 = arith.minimumf %min3A_194, %max3A_239 : vector<16xf32>
        %max3A_241 = arith.maximumf %min3A_198, %add3A_230 : vector<16xf32>
        %min3A_242 = arith.minimumf %min3A_196, %max3A_241 : vector<16xf32>
        %max3A_243 = arith.maximumf %min3A_200, %add3A_230 : vector<16xf32>
        %min3A_244 = arith.minimumf %min3A_198, %max3A_243 : vector<16xf32>
        %max3A_245 = arith.maximumf %min3A_202, %add3A_230 : vector<16xf32>
        %min3A_246 = arith.minimumf %min3A_200, %max3A_245 : vector<16xf32>
        %max3A_247 = arith.maximumf %min3A_203, %add3A_230 : vector<16xf32>
        %min3A_248 = arith.minimumf %min3A_202, %max3A_247 : vector<16xf32>
        %min3A_249 = arith.minimumf %min3A_203, %add3A_230 : vector<16xf32>
        %mul3A_250 = arith.constant 5 : i32
        %mul3A_251 = arith.muli %scan3A_107, %mul3A_250 : i32
        %add3A_252 = arith.constant 3 : i32
        %add3A_253 = arith.addi %mul3A_251, %add3A_252 : i32
        %mul3A_254 = arith.constant 16 : i32
        %mul3A_255 = arith.muli %add3A_253, %mul3A_254 : i32
        %get3A_256 = arith.index_cast %mul3A_255 : i32 to index
        %get3A_257 = tpu.vector_load %arg8[%get3A_256] {strides = array<i32>} : memref<2000xf32, #tpu.memory_space<vmem>>, vector<16xf32>,
        %sub3A_258 = arith.subf %get3A_257, %gather3A_66 : vector<16xf32>
        %mul3A_259 = arith.constant 16 : i32
        %mul3A_260 = arith.muli %add3A_253, %mul3A_259 : i32
        %get3A_261 = arith.index_cast %mul3A_260 : i32 to index
        %get3A_262 = tpu.vector_load %arg9[%get3A_261] {strides = array<i32>} : memref<2000xf32, #tpu.memory_space<vmem>>, vector<16xf32>,
        %sub3A_263 = arith.subf %get3A_262, %gather3A_67 : vector<16xf32>
        %mul3A_264 = arith.constant 16 : i32
        %mul3A_265 = arith.muli %add3A_253, %mul3A_264 : i32
        %get3A_266 = arith.index_cast %mul3A_265 : i32 to index
        %get3A_267 = tpu.vector_load %arg10[%get3A_266] {strides = array<i32>} : memref<2000xf32, #tpu.memory_space<vmem>>, vector<16xf32>,
        %sub3A_268 = arith.subf %get3A_267, %gather3A_68 : vector<16xf32>
        %mul3A_269 = arith.mulf %sub3A_258, %sub3A_258 : vector<16xf32>
        %mul3A_270 = arith.mulf %sub3A_263, %sub3A_263 : vector<16xf32>
        %add3A_271 = arith.addf %mul3A_269, %mul3A_270 : vector<16xf32>
        %mul3A_272 = arith.mulf %sub3A_268, %sub3A_268 : vector<16xf32>
        %add3A_273 = arith.addf %add3A_271, %mul3A_272 : vector<16xf32>
        %add3A_274 = arith.constant 9.99999996E-13 : f32
        %add3A_275 = vector.broadcast %add3A_274 : f32 to vector<16xf32>
        %add3A_276 = arith.addf %add3A_273, %add3A_275 : vector<16xf32>
        %mul3A_277 = arith.constant 16 : i32
        %mul3A_278 = arith.muli %add3A_253, %mul3A_277 : i32
        %swap3A_279 = arith.index_cast %mul3A_278 : i32 to index
        %swap3A_280 = tpu.vector_load %arg11[%swap3A_279] {strides = array<i32>} : memref<2000xf32, #tpu.memory_space<vmem>>, vector<16xf32>,
        tpu.vector_store %arg11[%swap3A_279], %add3A_276 {strides = array<i32>} : memref<2000xf32, #tpu.memory_space<vmem>>, vector<16xf32>,
        %max3A_281 = arith.maximumf %min3A_238, %add3A_276 : vector<16xf32>
        %min3A_282 = arith.minimumf %min3A_236, %max3A_281 : vector<16xf32>
        %max3A_283 = arith.maximumf %min3A_240, %add3A_276 : vector<16xf32>
        %min3A_284 = arith.minimumf %min3A_238, %max3A_283 : vector<16xf32>
        %max3A_285 = arith.maximumf %min3A_242, %add3A_276 : vector<16xf32>
        %min3A_286 = arith.minimumf %min3A_240, %max3A_285 : vector<16xf32>
        %max3A_287 = arith.maximumf %min3A_244, %add3A_276 : vector<16xf32>
        %min3A_288 = arith.minimumf %min3A_242, %max3A_287 : vector<16xf32>
        %max3A_289 = arith.maximumf %min3A_246, %add3A_276 : vector<16xf32>
        %min3A_290 = arith.minimumf %min3A_244, %max3A_289 : vector<16xf32>
        %max3A_291 = arith.maximumf %min3A_248, %add3A_276 : vector<16xf32>
        %min3A_292 = arith.minimumf %min3A_246, %max3A_291 : vector<16xf32>
        %max3A_293 = arith.maximumf %min3A_249, %add3A_276 : vector<16xf32>
        %min3A_294 = arith.minimumf %min3A_248, %max3A_293 : vector<16xf32>
        %min3A_295 = arith.minimumf %min3A_249, %add3A_276 : vector<16xf32>
        %mul3A_296 = arith.constant 5 : i32
        %mul3A_297 = arith.muli %scan3A_107, %mul3A_296 : i32
        %add3A_298 = arith.constant 4 : i32
        %add3A_299 = arith.addi %mul3A_297, %add3A_298 : i32
        %mul3A_300 = arith.constant 16 : i32
        %mul3A_301 = arith.muli %add3A_299, %mul3A_300 : i32
        %get3A_302 = arith.index_cast %mul3A_301 : i32 to index
        %get3A_303 = tpu.vector_load %arg8[%get3A_302] {strides = array<i32>} : memref<2000xf32, #tpu.memory_space<vmem>>, vector<16xf32>,
        %sub3A_304 = arith.subf %get3A_303, %gather3A_66 : vector<16xf32>
        %mul3A_305 = arith.constant 16 : i32
        %mul3A_306 = arith.muli %add3A_299, %mul3A_305 : i32
        %get3A_307 = arith.index_cast %mul3A_306 : i32 to index
        %get3A_308 = tpu.vector_load %arg9[%get3A_307] {strides = array<i32>} : memref<2000xf32, #tpu.memory_space<vmem>>, vector<16xf32>,
        %sub3A_309 = arith.subf %get3A_308, %gather3A_67 : vector<16xf32>
        %mul3A_310 = arith.constant 16 : i32
        %mul3A_311 = arith.muli %add3A_299, %mul3A_310 : i32
        %get3A_312 = arith.index_cast %mul3A_311 : i32 to index
        %get3A_313 = tpu.vector_load %arg10[%get3A_312] {strides = array<i32>} : memref<2000xf32, #tpu.memory_space<vmem>>, vector<16xf32>,
        %sub3A_314 = arith.subf %get3A_313, %gather3A_68 : vector<16xf32>
        %mul3A_315 = arith.mulf %sub3A_304, %sub3A_304 : vector<16xf32>
        %mul3A_316 = arith.mulf %sub3A_309, %sub3A_309 : vector<16xf32>
        %add3A_317 = arith.addf %mul3A_315, %mul3A_316 : vector<16xf32>
        %mul3A_318 = arith.mulf %sub3A_314, %sub3A_314 : vector<16xf32>
        %add3A_319 = arith.addf %add3A_317, %mul3A_318 : vector<16xf32>
        %add3A_320 = arith.constant 9.99999996E-13 : f32
        %add3A_321 = vector.broadcast %add3A_320 : f32 to vector<16xf32>
        %add3A_322 = arith.addf %add3A_319, %add3A_321 : vector<16xf32>
        %mul3A_323 = arith.constant 16 : i32
        %mul3A_324 = arith.muli %add3A_299, %mul3A_323 : i32
        %swap3A_325 = arith.index_cast %mul3A_324 : i32 to index
        %swap3A_326 = tpu.vector_load %arg11[%swap3A_325] {strides = array<i32>} : memref<2000xf32, #tpu.memory_space<vmem>>, vector<16xf32>,
        tpu.vector_store %arg11[%swap3A_325], %add3A_322 {strides = array<i32>} : memref<2000xf32, #tpu.memory_space<vmem>>, vector<16xf32>,
        %max3A_327 = arith.maximumf %min3A_284, %add3A_322 : vector<16xf32>
        %min3A_328 = arith.minimumf %min3A_282, %max3A_327 : vector<16xf32>
        %max3A_329 = arith.maximumf %min3A_286, %add3A_322 : vector<16xf32>
        %min3A_330 = arith.minimumf %min3A_284, %max3A_329 : vector<16xf32>
        %max3A_331 = arith.maximumf %min3A_288, %add3A_322 : vector<16xf32>
        %min3A_332 = arith.minimumf %min3A_286, %max3A_331 : vector<16xf32>
        %max3A_333 = arith.maximumf %min3A_290, %add3A_322 : vector<16xf32>
        %min3A_334 = arith.minimumf %min3A_288, %max3A_333 : vector<16xf32>
        %max3A_335 = arith.maximumf %min3A_292, %add3A_322 : vector<16xf32>
        %min3A_336 = arith.minimumf %min3A_290, %max3A_335 : vector<16xf32>
        %max3A_337 = arith.maximumf %min3A_294, %add3A_322 : vector<16xf32>
        %min3A_338 = arith.minimumf %min3A_292, %max3A_337 : vector<16xf32>
        %max3A_339 = arith.maximumf %min3A_295, %add3A_322 : vector<16xf32>
        %min3A_340 = arith.minimumf %min3A_294, %max3A_339 : vector<16xf32>
        %min3A_341 = arith.minimumf %min3A_295, %add3A_322 : vector<16xf32>
        scf.yield %min3A_341, %min3A_340, %min3A_338, %min3A_336, %min3A_334, %min3A_332, %min3A_330, %min3A_328 : vector<16xf32>, vector<16xf32>, vector<16xf32>, vector<16xf32>, vector<16xf32>, vector<16xf32>, vector<16xf32>, vector<16xf32>
      }
      %scan3A_73 = arith.constant 25 : i32
      %convert_element_type3A = arith.extui %lt3A_47 : i1 to i32
      %cond3A = arith.constant 0 : i32
      %cond3A_74 = arith.cmpi ne, %convert_element_type3A, %cond3A : i32
      scf.if %cond3A_74 {
        %add3A_107 = arith.constant 32 : i32
        %add3A_108 = arith.addi %add3A_44, %add3A_107 : i32
        %dma_start3A_109 = arith.constant 0 : i32
        %dma_start3A_110 = tpu.memref_slice %arg2[%add3A_108, %dma_start3A_109] : memref<50x2000xf32, #tpu.memory_space<hbm>> -> memref<1x2000xf32, #tpu.memory_space<hbm>>
        %dma_start3A_111 = tpu.memref_squeeze %dma_start3A_110 : memref<1x2000xf32, #tpu.memory_space<hbm>> -> memref<2000xf32, #tpu.memory_space<hbm>>
        %dma_start3A_112 = arith.constant 0 : i32
        %dma_start3A_113 = tpu.memref_slice %arg2[%add3A_108, %dma_start3A_112] : memref<50x2000xf32, #tpu.memory_space<hbm>> -> memref<1x2000xf32, #tpu.memory_space<hbm>>
        %dma_start3A_114 = tpu.memref_squeeze %dma_start3A_113 : memref<1x2000xf32, #tpu.memory_space<hbm>> -> memref<2000xf32, #tpu.memory_space<hbm>>
        tpu.enqueue_dma source(%dma_start3A_114 : memref<2000xf32, #tpu.memory_space<hbm>>) target(%arg8 : memref<2000xf32, #tpu.memory_space<vmem>>) target_semaphore(%arg15 : memref<!tpu.dma_semaphore, #tpu.memory_space<semaphore_mem>>)
        %dma_start3A_115 = arith.constant 0 : i32
        %dma_start3A_116 = tpu.memref_slice %arg3[%add3A_108, %dma_start3A_115] : memref<50x2000xf32, #tpu.memory_space<hbm>> -> memref<1x2000xf32, #tpu.memory_space<hbm>>
        %dma_start3A_117 = tpu.memref_squeeze %dma_start3A_116 : memref<1x2000xf32, #tpu.memory_space<hbm>> -> memref<2000xf32, #tpu.memory_space<hbm>>
        %dma_start3A_118 = arith.constant 0 : i32
        %dma_start3A_119 = tpu.memref_slice %arg3[%add3A_108, %dma_start3A_118] : memref<50x2000xf32, #tpu.memory_space<hbm>> -> memref<1x2000xf32, #tpu.memory_space<hbm>>
        %dma_start3A_120 = tpu.memref_squeeze %dma_start3A_119 : memref<1x2000xf32, #tpu.memory_space<hbm>> -> memref<2000xf32, #tpu.memory_space<hbm>>
        tpu.enqueue_dma source(%dma_start3A_120 : memref<2000xf32, #tpu.memory_space<hbm>>) target(%arg9 : memref<2000xf32, #tpu.memory_space<vmem>>) target_semaphore(%arg15 : memref<!tpu.dma_semaphore, #tpu.memory_space<semaphore_mem>>)
        %dma_start3A_121 = arith.constant 0 : i32
        %dma_start3A_122 = tpu.memref_slice %arg4[%add3A_108, %dma_start3A_121] : memref<50x2000xf32, #tpu.memory_space<hbm>> -> memref<1x2000xf32, #tpu.memory_space<hbm>>
        %dma_start3A_123 = tpu.memref_squeeze %dma_start3A_122 : memref<1x2000xf32, #tpu.memory_space<hbm>> -> memref<2000xf32, #tpu.memory_space<hbm>>
        %dma_start3A_124 = arith.constant 0 : i32
        %dma_start3A_125 = tpu.memref_slice %arg4[%add3A_108, %dma_start3A_124] : memref<50x2000xf32, #tpu.memory_space<hbm>> -> memref<1x2000xf32, #tpu.memory_space<hbm>>
        %dma_start3A_126 = tpu.memref_squeeze %dma_start3A_125 : memref<1x2000xf32, #tpu.memory_space<hbm>> -> memref<2000xf32, #tpu.memory_space<hbm>>
        tpu.enqueue_dma source(%dma_start3A_126 : memref<2000xf32, #tpu.memory_space<hbm>>) target(%arg10 : memref<2000xf32, #tpu.memory_space<vmem>>) target_semaphore(%arg15 : memref<!tpu.dma_semaphore, #tpu.memory_space<semaphore_mem>>)
      } else {
      }
      %bitcast_convert_type3A = tpu.bitcast %scan3A_72#0 : vector<16xf32> -> vector<16xi32>
      %bitcast_convert_type3A_75 = tpu.bitcast %scan3A_72#1 : vector<16xf32> -> vector<16xi32>
      %bitcast_convert_type3A_76 = tpu.bitcast %scan3A_72#2 : vector<16xf32> -> vector<16xi32>
      %bitcast_convert_type3A_77 = tpu.bitcast %scan3A_72#3 : vector<16xf32> -> vector<16xi32>
      %bitcast_convert_type3A_78 = tpu.bitcast %scan3A_72#4 : vector<16xf32> -> vector<16xi32>
      %bitcast_convert_type3A_79 = tpu.bitcast %scan3A_72#5 : vector<16xf32> -> vector<16xi32>
      %bitcast_convert_type3A_80 = tpu.bitcast %scan3A_72#6 : vector<16xf32> -> vector<16xi32>
      %bitcast_convert_type3A_81 = tpu.bitcast %scan3A_72#7 : vector<16xf32> -> vector<16xi32>
      %broadcast_in_dim3A_82 = arith.constant 50 : i32
      %broadcast_in_dim3A_83 = vector.broadcast %broadcast_in_dim3A_82 : i32 to vector<16xi32>
      %scan3A_84 = arith.constant 0 : i32
      %scan3A_85 = arith.constant 31 : i32
      %scan3A_86 = arith.addi %scan3A_84, %scan3A_85 : i32
      %scan3A_87 = arith.constant 1 : i32
      %scan3A_88 = scf.for %scan3A_107 = %scan3A_84 to %scan3A_86 step %scan3A_87 iter_args(%scan3A_108 = %broadcast_in_dim3A_4) -> (vector<16xi32>)  : i32 {
        %broadcast_in_dim3A_109 = arith.constant 1 : i32
        %broadcast_in_dim3A_110 = vector.broadcast %broadcast_in_dim3A_109 : i32 to vector<16xi32>
        %broadcast_in_dim3A_111 = arith.constant 30 : i32
        %broadcast_in_dim3A_112 = vector.broadcast %broadcast_in_dim3A_111 : i32 to vector<16xi32>
        %sub3A = vector.broadcast %scan3A_107 : i32 to vector<16xi32>
        %sub3A_113 = arith.subi %broadcast_in_dim3A_112, %sub3A : vector<16xi32>
        %shift_left3A = arith.shli %broadcast_in_dim3A_110, %sub3A_113 : vector<16xi32>
        %or3A = arith.ori %scan3A_108, %shift_left3A : vector<16xi32>
        %lt3A_114 = arith.cmpi slt, %bitcast_convert_type3A, %or3A : vector<16xi32>
        %all_reduce_population_count3A = tpu.all_reduce %lt3A_114 {dim = 0 : i64, kind = #tpu.reduction_kind<sum>} : vector<16xi1> -> vector<16xi32>
        %add3A_115 = arith.addi %broadcast_in_dim3A_4, %all_reduce_population_count3A : vector<16xi32>
        %lt3A_116 = arith.cmpi slt, %bitcast_convert_type3A_75, %or3A : vector<16xi32>
        %all_reduce_population_count3A_117 = tpu.all_reduce %lt3A_116 {dim = 0 : i64, kind = #tpu.reduction_kind<sum>} : vector<16xi1> -> vector<16xi32>
        %add3A_118 = arith.addi %add3A_115, %all_reduce_population_count3A_117 : vector<16xi32>
        %lt3A_119 = arith.cmpi slt, %bitcast_convert_type3A_76, %or3A : vector<16xi32>
        %all_reduce_population_count3A_120 = tpu.all_reduce %lt3A_119 {dim = 0 : i64, kind = #tpu.reduction_kind<sum>} : vector<16xi1> -> vector<16xi32>
        %add3A_121 = arith.addi %add3A_118, %all_reduce_population_count3A_120 : vector<16xi32>
        %lt3A_122 = arith.cmpi slt, %bitcast_convert_type3A_77, %or3A : vector<16xi32>
        %all_reduce_population_count3A_123 = tpu.all_reduce %lt3A_122 {dim = 0 : i64, kind = #tpu.reduction_kind<sum>} : vector<16xi1> -> vector<16xi32>
        %add3A_124 = arith.addi %add3A_121, %all_reduce_population_count3A_123 : vector<16xi32>
        %lt3A_125 = arith.cmpi slt, %bitcast_convert_type3A_78, %or3A : vector<16xi32>
        %all_reduce_population_count3A_126 = tpu.all_reduce %lt3A_125 {dim = 0 : i64, kind = #tpu.reduction_kind<sum>} : vector<16xi1> -> vector<16xi32>
        %add3A_127 = arith.addi %add3A_124, %all_reduce_population_count3A_126 : vector<16xi32>
        %lt3A_128 = arith.cmpi slt, %bitcast_convert_type3A_79, %or3A : vector<16xi32>
        %all_reduce_population_count3A_129 = tpu.all_reduce %lt3A_128 {dim = 0 : i64, kind = #tpu.reduction_kind<sum>} : vector<16xi1> -> vector<16xi32>
        %add3A_130 = arith.addi %add3A_127, %all_reduce_population_count3A_129 : vector<16xi32>
        %lt3A_131 = arith.cmpi slt, %bitcast_convert_type3A_80, %or3A : vector<16xi32>
        %all_reduce_population_count3A_132 = tpu.all_reduce %lt3A_131 {dim = 0 : i64, kind = #tpu.reduction_kind<sum>} : vector<16xi1> -> vector<16xi32>
        %add3A_133 = arith.addi %add3A_130, %all_reduce_population_count3A_132 : vector<16xi32>
        %lt3A_134 = arith.cmpi slt, %bitcast_convert_type3A_81, %or3A : vector<16xi32>
        %all_reduce_population_count3A_135 = tpu.all_reduce %lt3A_134 {dim = 0 : i64, kind = #tpu.reduction_kind<sum>} : vector<16xi1> -> vector<16xi32>
        %add3A_136 = arith.addi %add3A_133, %all_reduce_population_count3A_135 : vector<16xi32>
        %ge3A_137 = arith.cmpi sge, %add3A_136, %broadcast_in_dim3A_83 : vector<16xi32>
        %select_n3A_138 = arith.select %ge3A_137, %scan3A_108, %or3A : vector<16xi1>, vector<16xi32>
        scf.yield %select_n3A_138 : vector<16xi32>
      }
      %scan3A_89 = arith.constant 31 : i32
      %bitcast_convert_type3A_90 = tpu.bitcast %scan3A_88 : vector<16xi32> -> vector<16xf32>
      %scan3A_91 = arith.constant 0 : i32
      %scan3A_92 = arith.constant 25 : i32
      %scan3A_93 = arith.addi %scan3A_91, %scan3A_92 : i32
      %scan3A_94 = arith.constant 1 : i32
      %scan3A_95:2 = scf.for %scan3A_107 = %scan3A_91 to %scan3A_93 step %scan3A_94 iter_args(%scan3A_108 = %broadcast_in_dim3A_4, %scan3A_109 = %broadcast_in_dim3A_4) -> (vector<16xi32>, vector<16xi32>)  : i32 {
        %mul3A_110 = arith.constant 5 : i32
        %mul3A_111 = arith.muli %scan3A_107, %mul3A_110 : i32
        %add3A_112 = arith.constant 0 : i32
        %add3A_113 = arith.addi %mul3A_111, %add3A_112 : i32
        %mul3A_114 = arith.constant 16 : i32
        %mul3A_115 = arith.muli %add3A_113, %mul3A_114 : i32
        %get3A = arith.index_cast %mul3A_115 : i32 to index
        %get3A_116 = tpu.vector_load %arg11[%get3A] {strides = array<i32>} : memref<2000xf32, #tpu.memory_space<vmem>>, vector<16xf32>,
        %lt3A_117 = arith.cmpf olt, %get3A_116, %bitcast_convert_type3A_90 : vector<16xf32>
        %all_reduce_population_count3A = tpu.all_reduce %lt3A_117 {dim = 0 : i64, kind = #tpu.reduction_kind<sum>} : vector<16xi1> -> vector<16xi32>
        %add3A_118 = arith.addi %scan3A_108, %all_reduce_population_count3A : vector<16xi32>
        %le3A_119 = arith.cmpf ole, %get3A_116, %bitcast_convert_type3A_90 : vector<16xf32>
        %all_reduce_population_count3A_120 = tpu.all_reduce %le3A_119 {dim = 0 : i64, kind = #tpu.reduction_kind<sum>} : vector<16xi1> -> vector<16xi32>
        %add3A_121 = arith.addi %scan3A_109, %all_reduce_population_count3A_120 : vector<16xi32>
        %mul3A_122 = arith.constant 5 : i32
        %mul3A_123 = arith.muli %scan3A_107, %mul3A_122 : i32
        %add3A_124 = arith.constant 1 : i32
        %add3A_125 = arith.addi %mul3A_123, %add3A_124 : i32
        %mul3A_126 = arith.constant 16 : i32
        %mul3A_127 = arith.muli %add3A_125, %mul3A_126 : i32
        %get3A_128 = arith.index_cast %mul3A_127 : i32 to index
        %get3A_129 = tpu.vector_load %arg11[%get3A_128] {strides = array<i32>} : memref<2000xf32, #tpu.memory_space<vmem>>, vector<16xf32>,
        %lt3A_130 = arith.cmpf olt, %get3A_129, %bitcast_convert_type3A_90 : vector<16xf32>
        %all_reduce_population_count3A_131 = tpu.all_reduce %lt3A_130 {dim = 0 : i64, kind = #tpu.reduction_kind<sum>} : vector<16xi1> -> vector<16xi32>
        %add3A_132 = arith.addi %add3A_118, %all_reduce_population_count3A_131 : vector<16xi32>
        %le3A_133 = arith.cmpf ole, %get3A_129, %bitcast_convert_type3A_90 : vector<16xf32>
        %all_reduce_population_count3A_134 = tpu.all_reduce %le3A_133 {dim = 0 : i64, kind = #tpu.reduction_kind<sum>} : vector<16xi1> -> vector<16xi32>
        %add3A_135 = arith.addi %add3A_121, %all_reduce_population_count3A_134 : vector<16xi32>
        %mul3A_136 = arith.constant 5 : i32
        %mul3A_137 = arith.muli %scan3A_107, %mul3A_136 : i32
        %add3A_138 = arith.constant 2 : i32
        %add3A_139 = arith.addi %mul3A_137, %add3A_138 : i32
        %mul3A_140 = arith.constant 16 : i32
        %mul3A_141 = arith.muli %add3A_139, %mul3A_140 : i32
        %get3A_142 = arith.index_cast %mul3A_141 : i32 to index
        %get3A_143 = tpu.vector_load %arg11[%get3A_142] {strides = array<i32>} : memref<2000xf32, #tpu.memory_space<vmem>>, vector<16xf32>,
        %lt3A_144 = arith.cmpf olt, %get3A_143, %bitcast_convert_type3A_90 : vector<16xf32>
        %all_reduce_population_count3A_145 = tpu.all_reduce %lt3A_144 {dim = 0 : i64, kind = #tpu.reduction_kind<sum>} : vector<16xi1> -> vector<16xi32>
        %add3A_146 = arith.addi %add3A_132, %all_reduce_population_count3A_145 : vector<16xi32>
        %le3A_147 = arith.cmpf ole, %get3A_143, %bitcast_convert_type3A_90 : vector<16xf32>
        %all_reduce_population_count3A_148 = tpu.all_reduce %le3A_147 {dim = 0 : i64, kind = #tpu.reduction_kind<sum>} : vector<16xi1> -> vector<16xi32>
        %add3A_149 = arith.addi %add3A_135, %all_reduce_population_count3A_148 : vector<16xi32>
        %mul3A_150 = arith.constant 5 : i32
        %mul3A_151 = arith.muli %scan3A_107, %mul3A_150 : i32
        %add3A_152 = arith.constant 3 : i32
        %add3A_153 = arith.addi %mul3A_151, %add3A_152 : i32
        %mul3A_154 = arith.constant 16 : i32
        %mul3A_155 = arith.muli %add3A_153, %mul3A_154 : i32
        %get3A_156 = arith.index_cast %mul3A_155 : i32 to index
        %get3A_157 = tpu.vector_load %arg11[%get3A_156] {strides = array<i32>} : memref<2000xf32, #tpu.memory_space<vmem>>, vector<16xf32>,
        %lt3A_158 = arith.cmpf olt, %get3A_157, %bitcast_convert_type3A_90 : vector<16xf32>
        %all_reduce_population_count3A_159 = tpu.all_reduce %lt3A_158 {dim = 0 : i64, kind = #tpu.reduction_kind<sum>} : vector<16xi1> -> vector<16xi32>
        %add3A_160 = arith.addi %add3A_146, %all_reduce_population_count3A_159 : vector<16xi32>
        %le3A_161 = arith.cmpf ole, %get3A_157, %bitcast_convert_type3A_90 : vector<16xf32>
        %all_reduce_population_count3A_162 = tpu.all_reduce %le3A_161 {dim = 0 : i64, kind = #tpu.reduction_kind<sum>} : vector<16xi1> -> vector<16xi32>
        %add3A_163 = arith.addi %add3A_149, %all_reduce_population_count3A_162 : vector<16xi32>
        %mul3A_164 = arith.constant 5 : i32
        %mul3A_165 = arith.muli %scan3A_107, %mul3A_164 : i32
        %add3A_166 = arith.constant 4 : i32
        %add3A_167 = arith.addi %mul3A_165, %add3A_166 : i32
        %mul3A_168 = arith.constant 16 : i32
        %mul3A_169 = arith.muli %add3A_167, %mul3A_168 : i32
        %get3A_170 = arith.index_cast %mul3A_169 : i32 to index
        %get3A_171 = tpu.vector_load %arg11[%get3A_170] {strides = array<i32>} : memref<2000xf32, #tpu.memory_space<vmem>>, vector<16xf32>,
        %lt3A_172 = arith.cmpf olt, %get3A_171, %bitcast_convert_type3A_90 : vector<16xf32>
        %all_reduce_population_count3A_173 = tpu.all_reduce %lt3A_172 {dim = 0 : i64, kind = #tpu.reduction_kind<sum>} : vector<16xi1> -> vector<16xi32>
        %add3A_174 = arith.addi %add3A_160, %all_reduce_population_count3A_173 : vector<16xi32>
        %le3A_175 = arith.cmpf ole, %get3A_171, %bitcast_convert_type3A_90 : vector<16xf32>
        %all_reduce_population_count3A_176 = tpu.all_reduce %le3A_175 {dim = 0 : i64, kind = #tpu.reduction_kind<sum>} : vector<16xi1> -> vector<16xi32>
        %add3A_177 = arith.addi %add3A_163, %all_reduce_population_count3A_176 : vector<16xi32>
        scf.yield %add3A_174, %add3A_177 : vector<16xi32>, vector<16xi32>
      }
      %scan3A_96 = arith.constant 25 : i32
      %slice3A = vector.extract_strided_slice %scan3A_95#0 {offsets = [0], sizes = [1], strides = [1]} : vector<16xi32> to vector<1xi32>
      %squeeze3A = vector.extract %slice3A[0] : i32 from vector<1xi32>
      %le3A = arith.constant 49 : i32
      %le3A_97 = arith.cmpi sle, %squeeze3A, %le3A : i32
      %slice3A_98 = vector.extract_strided_slice %scan3A_95#1 {offsets = [0], sizes = [1], strides = [1]} : vector<16xi32> to vector<1xi32>
      %squeeze3A_99 = vector.extract %slice3A_98[0] : i32 from vector<1xi32>
      %ge3A = arith.constant 50 : i32
      %ge3A_100 = arith.cmpi sge, %squeeze3A_99, %ge3A : i32
      %and3A = arith.andi %le3A_97, %ge3A_100 : i1
      %convert_element_type3A_101 = arith.extui %and3A : i1 to i32
      %cond3A_102 = arith.constant 0 : i32
      %cond3A_103 = arith.cmpi ne, %convert_element_type3A_101, %cond3A_102 : i32
      %cond3A_104 = scf.if %cond3A_103 -> (vector<16xi32>) {
        scf.yield %scan3A_88 : vector<16xi32>
      } else {
        %scan3A_107 = arith.constant 0 : i32
        %scan3A_108 = arith.constant 0 : i32
        %scan3A_109 = arith.constant 16 : i32
        %scan3A_110 = arith.addi %scan3A_108, %scan3A_109 : i32
        %scan3A_111 = arith.constant 1 : i32
        scf.for %scan3A_153 = %scan3A_108 to %scan3A_110 step %scan3A_111  : i32 {
          %mul3A_154 = arith.constant 8 : i32
          %mul3A_155 = arith.muli %scan3A_153, %mul3A_154 : i32
          %add3A_156 = arith.constant 0 : i32
          %add3A_157 = arith.addi %mul3A_155, %add3A_156 : i32
          %mul3A_158 = arith.constant 16 : i32
          %mul3A_159 = arith.muli %add3A_157, %mul3A_158 : i32
          %swap3A_160 = arith.index_cast %mul3A_159 : i32 to index
          %swap3A_161 = tpu.vector_load %arg12[%swap3A_160] {strides = array<i32>} : memref<2048xf32, #tpu.memory_space<vmem>>, vector<16xf32>,
          tpu.vector_store %arg12[%swap3A_160], %broadcast_in_dim3A_8 {strides = array<i32>} : memref<2048xf32, #tpu.memory_space<vmem>>, vector<16xf32>,
          %mul3A_162 = arith.constant 8 : i32
          %mul3A_163 = arith.muli %scan3A_153, %mul3A_162 : i32
          %add3A_164 = arith.constant 1 : i32
          %add3A_165 = arith.addi %mul3A_163, %add3A_164 : i32
          %mul3A_166 = arith.constant 16 : i32
          %mul3A_167 = arith.muli %add3A_165, %mul3A_166 : i32
          %swap3A_168 = arith.index_cast %mul3A_167 : i32 to index
          %swap3A_169 = tpu.vector_load %arg12[%swap3A_168] {strides = array<i32>} : memref<2048xf32, #tpu.memory_space<vmem>>, vector<16xf32>,
          tpu.vector_store %arg12[%swap3A_168], %broadcast_in_dim3A_8 {strides = array<i32>} : memref<2048xf32, #tpu.memory_space<vmem>>, vector<16xf32>,
          %mul3A_170 = arith.constant 8 : i32
          %mul3A_171 = arith.muli %scan3A_153, %mul3A_170 : i32
          %add3A_172 = arith.constant 2 : i32
          %add3A_173 = arith.addi %mul3A_171, %add3A_172 : i32
          %mul3A_174 = arith.constant 16 : i32
          %mul3A_175 = arith.muli %add3A_173, %mul3A_174 : i32
          %swap3A_176 = arith.index_cast %mul3A_175 : i32 to index
          %swap3A_177 = tpu.vector_load %arg12[%swap3A_176] {strides = array<i32>} : memref<2048xf32, #tpu.memory_space<vmem>>, vector<16xf32>,
          tpu.vector_store %arg12[%swap3A_176], %broadcast_in_dim3A_8 {strides = array<i32>} : memref<2048xf32, #tpu.memory_space<vmem>>, vector<16xf32>,
          %mul3A_178 = arith.constant 8 : i32
          %mul3A_179 = arith.muli %scan3A_153, %mul3A_178 : i32
          %add3A_180 = arith.constant 3 : i32
          %add3A_181 = arith.addi %mul3A_179, %add3A_180 : i32
          %mul3A_182 = arith.constant 16 : i32
          %mul3A_183 = arith.muli %add3A_181, %mul3A_182 : i32
          %swap3A_184 = arith.index_cast %mul3A_183 : i32 to index
          %swap3A_185 = tpu.vector_load %arg12[%swap3A_184] {strides = array<i32>} : memref<2048xf32, #tpu.memory_space<vmem>>, vector<16xf32>,
          tpu.vector_store %arg12[%swap3A_184], %broadcast_in_dim3A_8 {strides = array<i32>} : memref<2048xf32, #tpu.memory_space<vmem>>, vector<16xf32>,
          %mul3A_186 = arith.constant 8 : i32
          %mul3A_187 = arith.muli %scan3A_153, %mul3A_186 : i32
          %add3A_188 = arith.constant 4 : i32
          %add3A_189 = arith.addi %mul3A_187, %add3A_188 : i32
          %mul3A_190 = arith.constant 16 : i32
          %mul3A_191 = arith.muli %add3A_189, %mul3A_190 : i32
          %swap3A_192 = arith.index_cast %mul3A_191 : i32 to index
          %swap3A_193 = tpu.vector_load %arg12[%swap3A_192] {strides = array<i32>} : memref<2048xf32, #tpu.memory_space<vmem>>, vector<16xf32>,
          tpu.vector_store %arg12[%swap3A_192], %broadcast_in_dim3A_8 {strides = array<i32>} : memref<2048xf32, #tpu.memory_space<vmem>>, vector<16xf32>,
          %mul3A_194 = arith.constant 8 : i32
          %mul3A_195 = arith.muli %scan3A_153, %mul3A_194 : i32
          %add3A_196 = arith.constant 5 : i32
          %add3A_197 = arith.addi %mul3A_195, %add3A_196 : i32
          %mul3A_198 = arith.constant 16 : i32
          %mul3A_199 = arith.muli %add3A_197, %mul3A_198 : i32
          %swap3A_200 = arith.index_cast %mul3A_199 : i32 to index
          %swap3A_201 = tpu.vector_load %arg12[%swap3A_200] {strides = array<i32>} : memref<2048xf32, #tpu.memory_space<vmem>>, vector<16xf32>,
          tpu.vector_store %arg12[%swap3A_200], %broadcast_in_dim3A_8 {strides = array<i32>} : memref<2048xf32, #tpu.memory_space<vmem>>, vector<16xf32>,
          %mul3A_202 = arith.constant 8 : i32
          %mul3A_203 = arith.muli %scan3A_153, %mul3A_202 : i32
          %add3A_204 = arith.constant 6 : i32
          %add3A_205 = arith.addi %mul3A_203, %add3A_204 : i32
          %mul3A_206 = arith.constant 16 : i32
          %mul3A_207 = arith.muli %add3A_205, %mul3A_206 : i32
          %swap3A_208 = arith.index_cast %mul3A_207 : i32 to index
          %swap3A_209 = tpu.vector_load %arg12[%swap3A_208] {strides = array<i32>} : memref<2048xf32, #tpu.memory_space<vmem>>, vector<16xf32>,
          tpu.vector_store %arg12[%swap3A_208], %broadcast_in_dim3A_8 {strides = array<i32>} : memref<2048xf32, #tpu.memory_space<vmem>>, vector<16xf32>,
          %mul3A_210 = arith.constant 8 : i32
          %mul3A_211 = arith.muli %scan3A_153, %mul3A_210 : i32
          %add3A_212 = arith.constant 7 : i32
          %add3A_213 = arith.addi %mul3A_211, %add3A_212 : i32
          %mul3A_214 = arith.constant 16 : i32
          %mul3A_215 = arith.muli %add3A_213, %mul3A_214 : i32
          %swap3A_216 = arith.index_cast %mul3A_215 : i32 to index
          %swap3A_217 = tpu.vector_load %arg12[%swap3A_216] {strides = array<i32>} : memref<2048xf32, #tpu.memory_space<vmem>>, vector<16xf32>,
          tpu.vector_store %arg12[%swap3A_216], %broadcast_in_dim3A_8 {strides = array<i32>} : memref<2048xf32, #tpu.memory_space<vmem>>, vector<16xf32>,
        }
        %scan3A_112 = arith.constant 16 : i32
        %scan3A_113 = arith.constant 0 : i32
        %scan3A_114 = arith.constant 25 : i32
        %scan3A_115 = arith.addi %scan3A_113, %scan3A_114 : i32
        %scan3A_116 = arith.constant 1 : i32
        %scan3A_117 = scf.for %scan3A_153 = %scan3A_113 to %scan3A_115 step %scan3A_116 iter_args(%scan3A_154 = %broadcast_in_dim3A_4) -> (vector<16xi32>)  : i32 {
          %mul3A_155 = arith.constant 5 : i32
          %mul3A_156 = arith.muli %scan3A_153, %mul3A_155 : i32
          %add3A_157 = arith.constant 0 : i32
          %add3A_158 = arith.addi %mul3A_156, %add3A_157 : i32
          %mul3A_159 = arith.constant 16 : i32
          %mul3A_160 = arith.muli %add3A_158, %mul3A_159 : i32
          %get3A = arith.index_cast %mul3A_160 : i32 to index
          %get3A_161 = tpu.vector_load %arg11[%get3A] {strides = array<i32>} : memref<2000xf32, #tpu.memory_space<vmem>>, vector<16xf32>,
          %mul3A_162 = arith.constant 5 : i32
          %mul3A_163 = arith.muli %scan3A_153, %mul3A_162 : i32
          %add3A_164 = arith.constant 1 : i32
          %add3A_165 = arith.addi %mul3A_163, %add3A_164 : i32
          %mul3A_166 = arith.constant 16 : i32
          %mul3A_167 = arith.muli %add3A_165, %mul3A_166 : i32
          %get3A_168 = arith.index_cast %mul3A_167 : i32 to index
          %get3A_169 = tpu.vector_load %arg11[%get3A_168] {strides = array<i32>} : memref<2000xf32, #tpu.memory_space<vmem>>, vector<16xf32>,
          %mul3A_170 = arith.constant 5 : i32
          %mul3A_171 = arith.muli %scan3A_153, %mul3A_170 : i32
          %add3A_172 = arith.constant 2 : i32
          %add3A_173 = arith.addi %mul3A_171, %add3A_172 : i32
          %mul3A_174 = arith.constant 16 : i32
          %mul3A_175 = arith.muli %add3A_173, %mul3A_174 : i32
          %get3A_176 = arith.index_cast %mul3A_175 : i32 to index
          %get3A_177 = tpu.vector_load %arg11[%get3A_176] {strides = array<i32>} : memref<2000xf32, #tpu.memory_space<vmem>>, vector<16xf32>,
          %mul3A_178 = arith.constant 5 : i32
          %mul3A_179 = arith.muli %scan3A_153, %mul3A_178 : i32
          %add3A_180 = arith.constant 3 : i32
          %add3A_181 = arith.addi %mul3A_179, %add3A_180 : i32
          %mul3A_182 = arith.constant 16 : i32
          %mul3A_183 = arith.muli %add3A_181, %mul3A_182 : i32
          %get3A_184 = arith.index_cast %mul3A_183 : i32 to index
          %get3A_185 = tpu.vector_load %arg11[%get3A_184] {strides = array<i32>} : memref<2000xf32, #tpu.memory_space<vmem>>, vector<16xf32>,
          %mul3A_186 = arith.constant 5 : i32
          %mul3A_187 = arith.muli %scan3A_153, %mul3A_186 : i32
          %add3A_188 = arith.constant 4 : i32
          %add3A_189 = arith.addi %mul3A_187, %add3A_188 : i32
          %mul3A_190 = arith.constant 16 : i32
          %mul3A_191 = arith.muli %add3A_189, %mul3A_190 : i32
          %get3A_192 = arith.index_cast %mul3A_191 : i32 to index
          %get3A_193 = tpu.vector_load %arg11[%get3A_192] {strides = array<i32>} : memref<2000xf32, #tpu.memory_space<vmem>>, vector<16xf32>,
          %le3A_194 = arith.cmpf ole, %get3A_161, %bitcast_convert_type3A_90 : vector<16xf32>
          %le3A_195 = arith.cmpf ole, %get3A_169, %bitcast_convert_type3A_90 : vector<16xf32>
          %le3A_196 = arith.cmpf ole, %get3A_177, %bitcast_convert_type3A_90 : vector<16xf32>
          %le3A_197 = arith.cmpf ole, %get3A_185, %bitcast_convert_type3A_90 : vector<16xf32>
          %le3A_198 = arith.cmpf ole, %get3A_193, %bitcast_convert_type3A_90 : vector<16xf32>
          %select_n3A_199 = arith.select %le3A_194, %broadcast_in_dim3A_6, %broadcast_in_dim3A_4 : vector<16xi1>, vector<16xi32>
          %select_n3A_200 = arith.select %le3A_195, %broadcast_in_dim3A_6, %broadcast_in_dim3A_4 : vector<16xi1>, vector<16xi32>
          %select_n3A_201 = arith.select %le3A_196, %broadcast_in_dim3A_6, %broadcast_in_dim3A_4 : vector<16xi1>, vector<16xi32>
          %select_n3A_202 = arith.select %le3A_197, %broadcast_in_dim3A_6, %broadcast_in_dim3A_4 : vector<16xi1>, vector<16xi32>
          %select_n3A_203 = arith.select %le3A_198, %broadcast_in_dim3A_6, %broadcast_in_dim3A_4 : vector<16xi1>, vector<16xi32>
          %add3A_204 = arith.addi %scan3A_154, %select_n3A_199 : vector<16xi32>
          %add3A_205 = arith.addi %add3A_204, %select_n3A_200 : vector<16xi32>
          %add3A_206 = arith.addi %add3A_205, %select_n3A_201 : vector<16xi32>
          %add3A_207 = arith.addi %add3A_206, %select_n3A_202 : vector<16xi32>
          %add3A_208 = arith.addi %mul3A_3, %scan3A_154 : vector<16xi32>
          tpu.vector_store_idx %arg12[%add3A_208], %get3A_161 masked %le3A_194 : memref<2048xf32, #tpu.memory_space<vmem>>[vector<16xi32>], vector<16xf32>, vector<16xi1>
          %add3A_209 = arith.addi %mul3A_3, %add3A_204 : vector<16xi32>
          tpu.vector_store_idx %arg12[%add3A_209], %get3A_169 masked %le3A_195 : memref<2048xf32, #tpu.memory_space<vmem>>[vector<16xi32>], vector<16xf32>, vector<16xi1>
          %add3A_210 = arith.addi %mul3A_3, %add3A_205 : vector<16xi32>
          tpu.vector_store_idx %arg12[%add3A_210], %get3A_177 masked %le3A_196 : memref<2048xf32, #tpu.memory_space<vmem>>[vector<16xi32>], vector<16xf32>, vector<16xi1>
          %add3A_211 = arith.addi %mul3A_3, %add3A_206 : vector<16xi32>
          tpu.vector_store_idx %arg12[%add3A_211], %get3A_185 masked %le3A_197 : memref<2048xf32, #tpu.memory_space<vmem>>[vector<16xi32>], vector<16xf32>, vector<16xi1>
          %add3A_212 = arith.addi %mul3A_3, %add3A_207 : vector<16xi32>
          tpu.vector_store_idx %arg12[%add3A_212], %get3A_193 masked %le3A_198 : memref<2048xf32, #tpu.memory_space<vmem>>[vector<16xi32>], vector<16xf32>, vector<16xi1>
          %add3A_213 = arith.addi %add3A_207, %select_n3A_203 : vector<16xi32>
          scf.yield %add3A_213 : vector<16xi32>
        }
        %scan3A_118 = arith.constant 25 : i32
        %reduce_max3A = arith.constant true
        %reduce_max3A_119 = vector.broadcast %reduce_max3A : i1 to vector<16xi1>
        %reduce_max3A_120 = arith.constant -2147483648 : i32
        %reduce_max3A_121 = vector.broadcast %reduce_max3A_120 : i32 to vector<16xi32>
        %reduce_max3A_122 = arith.xori %scan3A_117, %reduce_max3A_121 : vector<16xi32>
        %reduce_max3A_123 = tpu.scan <max>, %reduce_max3A_122 masked %reduce_max3A_119 : vector<16xi32>, vector<16xi1> -> vector<16xi32>
        %reduce_max3A_124 = arith.xori %reduce_max3A_123, %reduce_max3A_121 : vector<16xi32>
        %reduce_max3A_125 = vector.extract %reduce_max3A_124[15] : i32 from vector<16xi32>
        %add3A_126 = arith.constant 1 : i32
        %add3A_127 = arith.addi %reduce_max3A_125, %add3A_126 : i32
        %jit3A_128 = arith.constant 2 : i32
        %div3A = arith.divsi %add3A_127, %jit3A_128 : i32
        %sign3A = arith.constant 0 : i32
        %sign3A_129 = arith.cmpi sgt, %add3A_127, %sign3A : i32
        %sign3A_130 = arith.extui %sign3A_129 : i1 to i32
        %sign3A_131 = arith.constant 0 : i32
        %sign3A_132 = arith.cmpi slt, %add3A_127, %sign3A_131 : i32
        %sign3A_133 = arith.extui %sign3A_132 : i1 to i32
        %sign3A_134 = arith.subi %sign3A_130, %sign3A_133 : i32
        %sign3A_135 = arith.constant 0 : i32
        %sign3A_136 = arith.cmpi sgt, %jit3A_128, %sign3A_135 : i32
        %sign3A_137 = arith.extui %sign3A_136 : i1 to i32
        %sign3A_138 = arith.constant 0 : i32
        %sign3A_139 = arith.cmpi slt, %jit3A_128, %sign3A_138 : i32
        %sign3A_140 = arith.extui %sign3A_139 : i1 to i32
        %sign3A_141 = arith.subi %sign3A_137, %sign3A_140 : i32
        %ne3A = arith.cmpi ne, %sign3A_134, %sign3A_141 : i32
        %rem3A = arith.remsi %add3A_127, %jit3A_128 : i32
        %ne3A_142 = arith.constant 0 : i32
        %ne3A_143 = arith.cmpi ne, %rem3A, %ne3A_142 : i32
        %and3A_144 = arith.andi %ne3A, %ne3A_143 : i1
        %sub3A = arith.constant 1 : i32
        %sub3A_145 = arith.subi %div3A, %sub3A : i32
        %select_n3A_146 = arith.select %and3A_144, %sub3A_145, %div3A : i32
        %scan3A_147 = arith.constant 0 : i32
        %scan3A_148 = arith.constant 31 : i32
        %scan3A_149 = arith.addi %scan3A_147, %scan3A_148 : i32
        %scan3A_150 = arith.constant 1 : i32
        %scan3A_151 = scf.for %scan3A_153 = %scan3A_147 to %scan3A_149 step %scan3A_150 iter_args(%scan3A_154 = %broadcast_in_dim3A_4) -> (vector<16xi32>)  : i32 {
          %broadcast_in_dim3A_155 = arith.constant 1 : i32
          %broadcast_in_dim3A_156 = vector.broadcast %broadcast_in_dim3A_155 : i32 to vector<16xi32>
          %broadcast_in_dim3A_157 = arith.constant 30 : i32
          %broadcast_in_dim3A_158 = vector.broadcast %broadcast_in_dim3A_157 : i32 to vector<16xi32>
          %sub3A_159 = vector.broadcast %scan3A_153 : i32 to vector<16xi32>
          %sub3A_160 = arith.subi %broadcast_in_dim3A_158, %sub3A_159 : vector<16xi32>
          %shift_left3A = arith.shli %broadcast_in_dim3A_156, %sub3A_160 : vector<16xi32>
          %or3A = arith.ori %scan3A_154, %shift_left3A : vector<16xi32>
          %while3A_161 = arith.constant 0 : i32
          %while3A_162 = arith.subi %select_n3A_146, %while3A_161 : i32
          %while3A_163 = arith.addi %while3A_161, %while3A_162 : i32
          %while3A_164 = arith.constant 1 : i32
          %while3A_165 = arith.divsi %while3A_162, %while3A_164 : i32
          %while3A_166 = arith.muli %while3A_165, %while3A_164 : i32
          %while3A_167 = arith.addi %while3A_161, %while3A_166 : i32
          %while3A_168 = arith.constant 1 : i32
          %while3A_169 = scf.for %while3A_174 = %while3A_161 to %while3A_167 step %while3A_168 iter_args(%while3A_175 = %broadcast_in_dim3A_4) -> (vector<16xi32>)  : i32 {
            %mul3A_176 = arith.constant 2 : i32
            %mul3A_177 = arith.muli %mul3A_176, %while3A_174 : i32
            %add3A_178 = vector.broadcast %mul3A_177 : i32 to vector<16xi32>
            %add3A_179 = arith.addi %mul3A_3, %add3A_178 : vector<16xi32>
            %gather3A_180 = tpu.vector_load_idx %arg12[%add3A_179] : memref<2048xf32, #tpu.memory_space<vmem>>[vector<16xi32>], vector<16xf32>,
            %bitcast_convert_type3A_181 = tpu.bitcast %gather3A_180 : vector<16xf32> -> vector<16xi32>
            %mul3A_182 = arith.constant 2 : i32
            %mul3A_183 = arith.muli %mul3A_182, %while3A_174 : i32
            %add3A_184 = vector.broadcast %mul3A_183 : i32 to vector<16xi32>
            %add3A_185 = arith.addi %mul3A_3, %add3A_184 : vector<16xi32>
            %add3A_186 = arith.constant 1 : i32
            %add3A_187 = vector.broadcast %add3A_186 : i32 to vector<16xi32>
            %add3A_188 = arith.addi %add3A_185, %add3A_187 : vector<16xi32>
            %gather3A_189 = tpu.vector_load_idx %arg12[%add3A_188] : memref<2048xf32, #tpu.memory_space<vmem>>[vector<16xi32>], vector<16xf32>,
            %bitcast_convert_type3A_190 = tpu.bitcast %gather3A_189 : vector<16xf32> -> vector<16xi32>
            %lt3A_191 = arith.cmpi slt, %bitcast_convert_type3A_181, %or3A : vector<16xi32>
            %all_reduce_population_count3A = tpu.all_reduce %lt3A_191 {dim = 0 : i64, kind = #tpu.reduction_kind<sum>} : vector<16xi1> -> vector<16xi32>
            %lt3A_192 = arith.cmpi slt, %bitcast_convert_type3A_190, %or3A : vector<16xi32>
            %all_reduce_population_count3A_193 = tpu.all_reduce %lt3A_192 {dim = 0 : i64, kind = #tpu.reduction_kind<sum>} : vector<16xi1> -> vector<16xi32>
            %add3A_194 = arith.addi %while3A_175, %all_reduce_population_count3A : vector<16xi32>
            %add3A_195 = arith.addi %add3A_194, %all_reduce_population_count3A_193 : vector<16xi32>
            scf.yield %add3A_195 : vector<16xi32>
          }
          %while3A_170 = arith.constant 1 : i32
          %while3A_171 = scf.for %while3A_174 = %while3A_167 to %while3A_163 step %while3A_170 iter_args(%while3A_175 = %while3A_169) -> (vector<16xi32>)  : i32 {
            %mul3A_176 = arith.constant 2 : i32
            %mul3A_177 = arith.muli %mul3A_176, %while3A_174 : i32
            %add3A_178 = vector.broadcast %mul3A_177 : i32 to vector<16xi32>
            %add3A_179 = arith.addi %mul3A_3, %add3A_178 : vector<16xi32>
            %gather3A_180 = tpu.vector_load_idx %arg12[%add3A_179] : memref<2048xf32, #tpu.memory_space<vmem>>[vector<16xi32>], vector<16xf32>,
            %bitcast_convert_type3A_181 = tpu.bitcast %gather3A_180 : vector<16xf32> -> vector<16xi32>
            %mul3A_182 = arith.constant 2 : i32
            %mul3A_183 = arith.muli %mul3A_182, %while3A_174 : i32
            %add3A_184 = vector.broadcast %mul3A_183 : i32 to vector<16xi32>
            %add3A_185 = arith.addi %mul3A_3, %add3A_184 : vector<16xi32>
            %add3A_186 = arith.constant 1 : i32
            %add3A_187 = vector.broadcast %add3A_186 : i32 to vector<16xi32>
            %add3A_188 = arith.addi %add3A_185, %add3A_187 : vector<16xi32>
            %gather3A_189 = tpu.vector_load_idx %arg12[%add3A_188] : memref<2048xf32, #tpu.memory_space<vmem>>[vector<16xi32>], vector<16xf32>,
            %bitcast_convert_type3A_190 = tpu.bitcast %gather3A_189 : vector<16xf32> -> vector<16xi32>
            %lt3A_191 = arith.cmpi slt, %bitcast_convert_type3A_181, %or3A : vector<16xi32>
            %all_reduce_population_count3A = tpu.all_reduce %lt3A_191 {dim = 0 : i64, kind = #tpu.reduction_kind<sum>} : vector<16xi1> -> vector<16xi32>
            %lt3A_192 = arith.cmpi slt, %bitcast_convert_type3A_190, %or3A : vector<16xi32>
            %all_reduce_population_count3A_193 = tpu.all_reduce %lt3A_192 {dim = 0 : i64, kind = #tpu.reduction_kind<sum>} : vector<16xi1> -> vector<16xi32>
            %add3A_194 = arith.addi %while3A_175, %all_reduce_population_count3A : vector<16xi32>
            %add3A_195 = arith.addi %add3A_194, %all_reduce_population_count3A_193 : vector<16xi32>
            scf.yield %add3A_195 : vector<16xi32>
          }
          %ge3A_172 = arith.cmpi sge, %while3A_171, %broadcast_in_dim3A_83 : vector<16xi32>
          %select_n3A_173 = arith.select %ge3A_172, %scan3A_154, %or3A : vector<16xi1>, vector<16xi32>
          scf.yield %select_n3A_173 : vector<16xi32>
        }
        %scan3A_152 = arith.constant 31 : i32
        scf.yield %scan3A_151 : vector<16xi32>
      }
      %bitcast_convert_type3A_105 = tpu.bitcast %cond3A_104 : vector<16xi32> -> vector<16xf32>
      %swap3A = arith.constant 0 : index
      %swap3A_106 = tpu.vector_load %arg14[%swap3A] {strides = array<i32>} : memref<16xf32, #tpu.memory_space<vmem>>, vector<16xf32>,
      tpu.vector_store %arg14[%swap3A], %bitcast_convert_type3A_105 {strides = array<i32>} : memref<16xf32, #tpu.memory_space<vmem>>, vector<16xf32>,
      "tpu.region"() ({
        %run_scoped3A = tpu.sem_alloc : memref<!tpu.dma_semaphore, #tpu.memory_space<semaphore_mem>>
        %dma_start3A_107 = arith.constant 0 : i32
        %dma_start3A_108 = tpu.memref_slice %arg6[%add3A_44, %dma_start3A_107] : memref<50x2000xf32, #tpu.memory_space<hbm>> -> memref<1x2000xf32, #tpu.memory_space<hbm>>
        %dma_start3A_109 = tpu.memref_squeeze %dma_start3A_108 : memref<1x2000xf32, #tpu.memory_space<hbm>> -> memref<2000xf32, #tpu.memory_space<hbm>>
        %dma_start3A_110 = arith.constant 0 : i32
        %dma_start3A_111 = tpu.memref_slice %arg6[%add3A_44, %dma_start3A_110] : memref<50x2000xf32, #tpu.memory_space<hbm>> -> memref<1x2000xf32, #tpu.memory_space<hbm>>
        %dma_start3A_112 = tpu.memref_squeeze %dma_start3A_111 : memref<1x2000xf32, #tpu.memory_space<hbm>> -> memref<2000xf32, #tpu.memory_space<hbm>>
        tpu.enqueue_dma source(%arg11 : memref<2000xf32, #tpu.memory_space<vmem>>) target(%dma_start3A_112 : memref<2000xf32, #tpu.memory_space<hbm>>) target_semaphore(%run_scoped3A : memref<!tpu.dma_semaphore, #tpu.memory_space<semaphore_mem>>)
        %dma_wait3A_113 = arith.constant 0 : i32
        %dma_wait3A_114 = tpu.memref_slice %arg6[%add3A_44, %dma_wait3A_113] : memref<50x2000xf32, #tpu.memory_space<hbm>> -> memref<1x2000xf32, #tpu.memory_space<hbm>>
        %dma_wait3A_115 = tpu.memref_squeeze %dma_wait3A_114 : memref<1x2000xf32, #tpu.memory_space<hbm>> -> memref<2000xf32, #tpu.memory_space<hbm>>
        %dma_wait3A_116 = arith.constant 0 : i32
        %dma_wait3A_117 = tpu.memref_slice %arg6[%add3A_44, %dma_wait3A_116] : memref<50x2000xf32, #tpu.memory_space<hbm>> -> memref<1x2000xf32, #tpu.memory_space<hbm>>
        %dma_wait3A_118 = tpu.memref_squeeze %dma_wait3A_117 : memref<1x2000xf32, #tpu.memory_space<hbm>> -> memref<2000xf32, #tpu.memory_space<hbm>>
        tpu.wait_dma2 semaphore(%run_scoped3A : memref<!tpu.dma_semaphore, #tpu.memory_space<semaphore_mem>>) src(%arg11 : memref<2000xf32, #tpu.memory_space<vmem>>) dst(%dma_wait3A_118 : memref<2000xf32, #tpu.memory_space<hbm>>)
        tpu.yield
      }) : () -> ()
      "tpu.region"() ({
        %run_scoped3A = tpu.sem_alloc : memref<!tpu.dma_semaphore, #tpu.memory_space<semaphore_mem>>
        %dma_start3A_107 = arith.constant 0 : i32
        %dma_start3A_108 = tpu.memref_slice %arg7[%add3A_44, %dma_start3A_107] : memref<50x16xf32, #tpu.memory_space<hbm>> -> memref<1x16xf32, #tpu.memory_space<hbm>>
        %dma_start3A_109 = tpu.memref_squeeze %dma_start3A_108 : memref<1x16xf32, #tpu.memory_space<hbm>> -> memref<16xf32, #tpu.memory_space<hbm>>
        %dma_start3A_110 = arith.constant 0 : i32
        %dma_start3A_111 = tpu.memref_slice %arg7[%add3A_44, %dma_start3A_110] : memref<50x16xf32, #tpu.memory_space<hbm>> -> memref<1x16xf32, #tpu.memory_space<hbm>>
        %dma_start3A_112 = tpu.memref_squeeze %dma_start3A_111 : memref<1x16xf32, #tpu.memory_space<hbm>> -> memref<16xf32, #tpu.memory_space<hbm>>
        tpu.enqueue_dma source(%arg14 : memref<16xf32, #tpu.memory_space<vmem>>) target(%dma_start3A_112 : memref<16xf32, #tpu.memory_space<hbm>>) target_semaphore(%run_scoped3A : memref<!tpu.dma_semaphore, #tpu.memory_space<semaphore_mem>>)
        %dma_wait3A_113 = arith.constant 0 : i32
        %dma_wait3A_114 = tpu.memref_slice %arg7[%add3A_44, %dma_wait3A_113] : memref<50x16xf32, #tpu.memory_space<hbm>> -> memref<1x16xf32, #tpu.memory_space<hbm>>
        %dma_wait3A_115 = tpu.memref_squeeze %dma_wait3A_114 : memref<1x16xf32, #tpu.memory_space<hbm>> -> memref<16xf32, #tpu.memory_space<hbm>>
        %dma_wait3A_116 = arith.constant 0 : i32
        %dma_wait3A_117 = tpu.memref_slice %arg7[%add3A_44, %dma_wait3A_116] : memref<50x16xf32, #tpu.memory_space<hbm>> -> memref<1x16xf32, #tpu.memory_space<hbm>>
        %dma_wait3A_118 = tpu.memref_squeeze %dma_wait3A_117 : memref<1x16xf32, #tpu.memory_space<hbm>> -> memref<16xf32, #tpu.memory_space<hbm>>
        tpu.wait_dma2 semaphore(%run_scoped3A : memref<!tpu.dma_semaphore, #tpu.memory_space<semaphore_mem>>) src(%arg14 : memref<16xf32, #tpu.memory_space<vmem>>) dst(%dma_wait3A_118 : memref<16xf32, #tpu.memory_space<hbm>>)
        tpu.yield
      }) : () -> ()
    }
    return
  }
}

</mosaic_0001>

<sc_bundles>
// kernel: _sc_stage.3.cloned.1.call-start
scs
__scs_entry_jumppad:
0x0: {  	(pc) =	sbr.rel $0x88, $3  }
0x1: {  	(tag) =	ssettag $0x0;
	lr =	simm.s32 $0x1  }
0x2: {  	[smem:$0x3F9D] =	sst lr;
	_ =	strace $0xD0000000  }
0x3: {  	_ = 	snop  }
0x4: {  	_ = 	snop  }
0x5: {  	_ = 	snop  }
0x6: {  	_ = 	snop  }
0x7: {  	_ = 	snop  }
__scs_overlays_trampoline_lowered:
0x8: {  	[smem:$0x3FAC] =	sst s0  }
0x9: {  	[smem:$0x3FAD] =	sst s1  }
0xa: {  	[smem:$0x3FAE] =	sst s2  }
0xb: {  	[smem:$0x3FAF] =	sst s3  }
0xc: {  	[smem:$0x3FB0] =	sst s4  }
0xd: {  	[smem:$0x3FB1] =	sst s5  }
0xe: {  	[smem:$0x3FB2] =	sst s6  }
0xf: {  	[smem:$0x3FB3] =	sst s7  }
0x10: {  	[smem:$0x3FB4] =	sst s8  }
0x11: {  	[smem:$0x3FB5] =	sst s9;
	s0 =	simm.s32 @!p0 $0x0  }
0x12: {  	s1 =	sld [smem:$0x3F9B];
	s0 =	simm.s32 @p0 $0x1  }
0x13: {  	[smem:$0x3FB6] =	sst s0;
	s0 =	simm.s32 @!p1 $0x0  }
0x14: {  	s2 =	sld [smem:$0x3F9A];
	s0 =	simm.s32 @p1 $0x1  }
0x15: {  	[smem:$0x3FB7] =	sst s0;
	s0 =	simm.s32 @!p2 $0x0  }
0x16: {  	s3 =	sld [smem:$0x3FDB];
	s0 =	simm.s32 @p2 $0x1  }
0x17: {  	s4 =	simm.s32 $0x1BF5;
	[smem:$0x3FB9] =	sst s0  }
0x18: {  	s0 =	sld [smem:$0x3F9C];
	_ =	swait.ge [sflag:s4], $0x0  }
0x19: {  	s7 =	sld [smem:$0x3F9D]  }
0x1a: {  	s8 =	sadd.s32 $0xFFFFE003, lr  }
0x1b: {  	s9 =	sadd.s32 $0xFFFFFEF7, lr;
	s5 =	simm.s32 $0xFFFFFFFF;
	p2 =	slt.u32 s8, $0xFFFFF086  }
0x1c: {  	p1 =	slt.u32 s9, $0xF7A;
	s5 =	simm.s32 @!p2 $0x0  }
0x1d: {  	s5 =	simm.s32 @p1 $0x1;
	p0 =	seq.s32 s7, s2  }
0x1e: {  	s7 =	smul.u32 @!p0 $0xF7A, s2;
	p2 =	seq.s32 @!p0 s5, $0x0  }
0x1f: {  	s9 =	smul.u32 $0xF7A, s1;
	s8 =	simm.s32 @!p0 $0x1BF5;
	p2 =	por !p2, p0  }
0x20: {  	[sflag:s8] =	ssyncset.s32 @!p0 $0xFFFFF086;
	s6 =	sadd.s32 @!p0 s3, s7;
	s7 =	simm.s32 @!p0 $0x108  }
0x21: {  	s3 =	sadd.s32 s3, s9;
	s6 =	sadd.s32 @!p0 $0x88, s6;
	s7 =	simm.s32 @p2 $0x1082  }
0x22: {  	[simem:s7], [sflag:s8] =	dma.local @!p0 [hbm:s6], $0xF7A  }
0x23: {  	s9 =	sor.u32 $0xD0000000, s2;
	s6 =	simm.s32 $0x108;
	_ =	swait.ge @!p0 [sflag:s8], $0x0  }
0x24: {  	s3 =	sadd.s32 $0x88, s3;
	s6 =	simm.s32 @!p1 $0x1082;
	[sflag:s4] =	ssyncset.s32 $0xFFFFF086  }
0x25: {  	[simem:s6], [sflag:s4] =	dma.local [hbm:s3], $0xF7A  }
0x26: {  	[smem:$0x3F9D] =	sst s1;
	(tag) =	ssettag s2;
	_ =	strace s9  }
0x27: {  	s1 =	sld [smem:$0x3FAD]  }
0x28: {  	s2 =	sld [smem:$0x3FAE]  }
0x29: {  	s4 =	sld [smem:$0x3FB0]  }
0x2a: {  	p0 =	seq.s32 s5, $0x0;
	s5 =	sld [smem:$0x3FB1]  }
0x2b: {  	s6 =	sld [smem:$0x3FB2]  }
0x2c: {  	s7 =	sld [smem:$0x3FB3]  }
0x2d: {  	s3 =	simm.s32 $0x108;
	s8 =	sld [smem:$0x3FB4]  }
0x2e: {  	s3 =	simm.s32 @!p0 $0x1082;
	s9 =	sld [smem:$0x3FB5]  }
0x2f: {  	lr =	sadd.s32 s0, s3;
	s0 =	sld [smem:$0x3FAC]  }
0x30: {  	s3 =	sld [smem:$0x3FAF]  }
0x31: {  	[smem:$0x3FB8] =	sst s10  }
0x32: {  	s10 =	sld [smem:$0x3FB6];
	_ =	sdelay $0x3  }
0x33: {  	p0 =	seq.s32 s10, $0x1;
	s10 =	sld [smem:$0x3FB8];
	_ =	sdelay $0x3  }
0x34: {  	[smem:$0x3FB8] =	sst s10  }
0x35: {  	s10 =	sld [smem:$0x3FB7];
	_ =	sdelay $0x3  }
0x36: {  	p1 =	seq.s32 s10, $0x1;
	s10 =	sld [smem:$0x3FB8];
	_ =	sdelay $0x3  }
0x37: {  	[smem:$0x3FB8] =	sst s10  }
0x38: {  	s10 =	sld [smem:$0x3FB9]  }
0x39: {  	_ = 	snop;
	(pc) =	sbr.ind lr, $3  }
0x3a: {  	_ = 	snop  }
0x3b: {  	_ = 	snop  }
0x3c: {  	p2 =	seq.s32 s10, $0x1;
	s10 =	sld [smem:$0x3FB8]  }
0x3d: {  	_ =	shalt  }
0x3e: {  	_ =	shalt  }
0x3f: {  	_ =	shalt  }
0x40: {  	_ =	shalt  }
0x41: {  	_ =	shalt  }
0x42: {  	_ =	shalt  }
0x43: {  	_ =	shalt  }
0x44: {  	_ =	shalt  }
0x45: {  	_ =	shalt  }
0x46: {  	_ =	shalt  }
0x47: {  	_ =	shalt  }
0x48: {  	_ =	shalt  }
0x49: {  	_ =	shalt  }
0x4a: {  	_ =	shalt  }
0x4b: {  	_ =	shalt  }
0x4c: {  	_ =	shalt  }
0x4d: {  	_ =	shalt  }
0x4e: {  	_ =	shalt  }
0x4f: {  	_ =	shalt  }
0x50: {  	_ =	shalt  }
0x51: {  	_ =	shalt  }
0x52: {  	_ =	shalt  }
0x53: {  	_ =	shalt  }
0x54: {  	_ =	shalt  }
0x55: {  	_ =	shalt  }
0x56: {  	_ =	shalt  }
0x57: {  	_ =	shalt  }
0x58: {  	_ =	shalt  }
0x59: {  	_ =	shalt  }
0x5a: {  	_ =	shalt  }
0x5b: {  	_ =	shalt  }
0x5c: {  	_ =	shalt  }
0x5d: {  	_ =	shalt  }
0x5e: {  	_ =	shalt  }
0x5f: {  	_ =	shalt  }
0x60: {  	_ =	shalt  }
0x61: {  	_ =	shalt  }
0x62: {  	_ =	shalt  }
0x63: {  	_ =	shalt  }
0x64: {  	_ =	shalt  }
0x65: {  	_ =	shalt  }
0x66: {  	_ =	shalt  }
0x67: {  	_ =	shalt  }
0x68: {  	_ =	shalt  }
0x69: {  	_ =	shalt  }
0x6a: {  	_ =	shalt  }
0x6b: {  	_ =	shalt  }
0x6c: {  	_ =	shalt  }
0x6d: {  	_ =	shalt  }
0x6e: {  	_ =	shalt  }
0x6f: {  	_ =	shalt  }
0x70: {  	_ =	shalt  }
0x71: {  	_ =	shalt  }
0x72: {  	_ =	shalt  }
0x73: {  	_ =	shalt  }
0x74: {  	_ =	shalt  }
0x75: {  	_ =	shalt  }
0x76: {  	_ =	shalt  }
0x77: {  	_ =	shalt  }
0x78: {  	_ =	shalt  }
0x79: {  	_ =	shalt  }
0x7a: {  	_ =	shalt  }
0x7b: {  	_ =	shalt  }
0x7c: {  	_ =	shalt  }
0x7d: {  	_ =	shalt  }
0x7e: {  	_ =	shalt  }
0x7f: {  	_ =	shalt  }
0x80: {  	_ =	shalt  }
0x81: {  	_ =	shalt  }
0x82: {  	_ =	shalt  }
0x83: {  	_ =	shalt  }
0x84: {  	_ =	shalt  }
0x85: {  	_ =	shalt  }
0x86: {  	_ =	shalt  }
0x87: {  	_ =	shalt  }
.Lfunc_end0:
.L_simem_size_0:
called_computation_lowered:
.L_overlay_start_0:
0x88: {  	s2 =	sld [smem:$0x3FD9]  }
0x89: {  	s3 =	sld [smem:$0x3FFE];
	_ =	sdelay $0x1  }
0x8a: {  	s1 =	srdreg.scid  }
0x8b: {  	s0 =	sand.u32 $0x1, s1  }
0x8c: {  	s14 =	sshll.u32 s0, $0xA;
	s2 =	sadd.s32 s3, s2  }
0x8d: {  	s2 =	sadd.s32 s2, s14  }
0x8e: {  	[smem:$0x3FC4] =	sst s2  }
0x8f: {  	_ = 	snop  }
0x90: {  	s2 =	sld [smem:$0x3FC9]  }
0x91: {  	s15 =	sld [smem:$0x3FD0]  }
0x92: {  	s4 =	sld [smem:$0x3FC8]  }
0x93: {  	s5 =	sld [smem:$0x3FC7]  }
0x94: {  	s7 =	simm.s32 $0xA;
	s8 =	simm.s32 $0x10;
	s6 =	sld [smem:$0x3FC6]  }
0x95: {  	[smem:s8], [sflag:s7] =	dma.local [hbm:s15], $0x1  }
0x96: {  	_ =	swait.eq [sflag:s7], $0x1  }
0x97: {  	[sflag:s7] =	ssyncset.done $0x0  }
0x98: {  	[sflag:s7] =	ssyncadd.s32 $0xFFFFFFFF  }
0x99: {  	s16 =	sld [smem:$0x10];
	(tm) =	ssettm $0x1  }
0x9a: {  	s17 =	sld [smem:$0x3FFB];
	_ =	sdelay $0x3  }
0x9b: {  	_ =	strace s17  }
0x9c: {  	s7 =	sld [smem:$0x3FFC];
	_ =	sdelay $0x3  }
0x9d: {  	_ =	strace s7  }
0x9e: {  	s7 =	sld [smem:$0x3FFD];
	_ =	sdelay $0x3  }
0x9f: {  	_ =	strace s7  }
0xa0: {  	_ =	strace $0x8FFFFFFF  }
0xa1: {  	s18 =	sld [smem:$0x3FDB];
	_ =	sdelay $0x1  }
0xa2: {  	s19 =	simm.s32 $_scs_section_size  }
0xa3: {  	s9 =	simm.s32 $_size__tile_overlayer_lowered;
	s10 =	simm.s32 $_tile_overlayer_lowered  }
0xa4: {  	s22 =	simm.s32 $0x1BFF;
	s21 =	sshll.u32 s10, $0x1;
	s7 =	sadd.s32 s19, s18  }
0xa5: {  	s11 =	simm.s32 $0x0;
	s20 =	sshll.u32 s9, $0x1;
	s9 =	sadd.s32 s21, s7  }
0xa6: {  	[timem:s11], [sflag:s22] =	dma.local [hbm:s9], s20  }
0xa7: {  	_ =	swait.ge [sflag:s22], s20  }
0xa8: {  	s8 =	ssub.s32 $0x0, s20;
	[sflag:s22] =	ssyncset.done $0x0  }
0xa9: {  	[sflag:s22] =	ssyncadd.s32 s8;
	_ =	sdelay $0x1  }
0xaa: {  	s23 =	simm.s32 $0x1B8B  }
0xab: {  	_ =	swait.ge [sflag:s23], $0x1  }
0xac: {  	[sflag:s23] =	ssyncset.done $0x0  }
0xad: {  	s25 =	simm.s32 $0x1B8E;
	s24 =	sld [smem:$0x3FFE];
	[sflag:s23] =	ssyncadd.s32 $0xFFFFFFFF  }
0xae: {  	s26 =	simm.s32 $execute0_lowered;
	[smem:$0x3FD2] =	sst s25  }
0xaf: {  	s9 =	sshll.u32 s26, $0x1;
	_ =	strace $0x80000046;
	[dreg:$0x1] =	wrdreg $0xFFFFFFFF  }
0xb0: {  	s28 =	simm.s32 $_size_execute0_lowered;
	s7 =	sadd.s32 s7, s9;
	[dreg:$0x0] =	wrdreg $0x0  }
0xb1: {  	s9 =	sshll.u32 s28, $0x1;
	[dreg:$0x2] =	wrdreg s7  }
0xb2: {  	[dreg:$0x3] =	wrdreg s9  }
0xb3: {  	[dreg:$0x4] =	wrdreg $0xC0  }
0xb4: {  	_ =	task [dreg:s11], $0x5FFFF  }
0xb5: {  	[dreg:$0x1] =	wrdreg $0xFFFFFFFF  }
0xb6: {  	[dreg:$0x0] =	wrdreg $0x60  }
0xb7: {  	[dreg:$0x2] =	wrdreg s2  }
0xb8: {  	[dreg:$0x3] =	wrdreg s4  }
0xb9: {  	[dreg:$0x4] =	wrdreg s5  }
0xba: {  	[dreg:$0x5] =	wrdreg s6  }
0xbb: {  	[dreg:$0x6] =	wrdreg s16  }
0xbc: {  	[dreg:$0x7] =	wrdreg s24  }
0xbd: {  	[dreg:$0x8] =	wrdreg $0x9  }
0xbe: {  	_ =	task.clear_ibuf [dreg:s11], $0x9FFFF;
	_ =	strace $0x90000046  }
0xbf: {  	s29 =	simm.s32 $0x9;
	_ =	strace $0x80000048  }
0xc0: {  	_ =	swait.ge [sflag:s29], $0x1  }
0xc1: {  	[sflag:s29] =	ssyncadd.s32 $0xFFFFFFFF  }
0xc2: {  	_ =	strace $0x90000048  }
0xc3: {  	_ =	sfence  }
0xc4: {  	s30 =	sld [smem:$0x0];
	_ =	sdelay $0x2  }
0xc5: {  	s31 =	sshll.u32 s1, $0xD;
	s1 =	sshrl.u32 s1, $0x2  }
0xc6: {  	s3 =	sand.u32 $0x4000, s31;
	s1 =	sadd.s32 s1, s30  }
0xc7: {  	s0 =	sor.u32 s3, s0;
	s1 =	sshll.u32 s1, $0x11  }
0xc8: {  	s0 =	sor.u32 s1, s0  }
0xc9: {  	s0 =	sadd.s32 $0x8F2B, s0  }
0xca: {  	[sflag:s0] =	ssyncadd.remote.s32 $0x1  }
0xcb: {  	_ =	sfence.sel $0xFFFF  }
0xcc: {  	[dreg:$0x0] =	wrdreg $0xFFFFFFFF;
	(pc) =	sbr.abs _section_cstart, $3  }
0xcd: {  	[dreg:$0x1] =	wrdreg $0xFFFFFFFF  }
0xce: {  	_ =	task.clear_ibuf [dreg:s11], $0x2FFFF;
	_ =	strace $0x9FFFFFFF  }
0xcf: {  	(tm) =	ssettm $0x7FFFFFFF  }
tec
execute0_lowered:
.L_overlay_start_1:
0x0: {  	(tag) =	ssettag $0x1  }
0x1: {  	s1 =	rddreg [dreg:$0x0]  }
0x2: {  	s2 =	rddreg [dreg:$0x1]  }
0x3: {  	s3 =	rddreg [dreg:$0x2]  }
0x4: {  	s5 =	rddreg [dreg:$0x4]  }
0x5: {  	s0 =	rddreg [dreg:$0x5];
	s7 =	simm.s32 $0x0  }
0x6: {  	s4 =	srdreg.scid;
	s10 =	stileid.u32;
	s11 =	simm.s32 $0x2  }
0x7: {  	s18 =	simm.s32 $0x2800;
	s19 =	simm.s32 $0x80;
	s20 =	simm.s32 $0x400  }
0x8: {  	s21 =	simm.s32 $0x800;
	s22 =	simm.s32 $0x1000;
	s23 =	simm.s32 $0x1  }
0x9: {  	s28 =	simm.s32 $0x0;
	[smem:$0x7FF] =	sst s7;
	s4 =	sand.u32 $0x1, s4  }
0xa: {  	s6 =	sshll.u32 s10, $0x1;
	s8 =	sadd.s32 $0x800, s0;
	s26 =	sshll.u32 s10, $0xC  }
0xb: {  	p0 =	slt.u32 s10, $0x9;
	s10 =	simm.s32 $0x2;
	s9 =	sor.u32 s4, s6  }
0xc: {  	_ =	strace $0x80000047;
	s24 =	ssub.s32 $0x2, s4;
	s12 =	sshll.u32 s9, $0x7  }
0xd: {  	s11 =	simm.s32 @!p0 $0x1;
	s25 =	sshrl.u32 s24, $0x1;
	s29 =	sor.u32 s26, s12  }
.Ltmp0:
0xe: {  	s0 =	ssub.s32 s24, s25;
	s4 =	sand.u32 $0xC380, s29;
	(pc) =	sbr.rel .LBB2_1-.Ltmp0, $4  }
0xf: {  	s12 =	sand.u32 $0x380, s12;
	s24 =	simm.s32 $0x1800;
	s4 =	sshrl.u32 s4, $0x3  }
0x10: {  	v3 =	vlaneseq.u32;
	s25 =	simm.s32 $0x2880;
	s26 =	simm.s32 $0x2000;
	s30 =	sadd.s32 s1, s4  }
0x11: {  	v3 =	vmul.u32 $0x80, v3;
	s16 =	sor.u32 $0x10000, s12;
	s31 =	sadd.s32 s2, s4;
	[dreg:$0x7] =	wrdreg s30  }
0x12: {  	v0 =	vimm.s32 $0x1;
	v1 =	vimm.f32 $+Inf;
	v2 =	vimm.s32 $0x0;
	s17 =	smax.u32 s0, $0x1;
	s15 =	sadd.s32 s3, s4;
	[dreg:$0x8] =	wrdreg s31  }
.LBB2_23:
0x13: {  	s28 =	sadd.s32 $0x1, s28  }
0x14: {  	p0 =	sne.s32 s28, s17  }
.Ltmp1:
0x15: {  	_ = 	snop;
	(pc) =	sbr.rel @!p0 .LBB2_24-.Ltmp1, $1  }
0x16: {  	_ =	sdelay $0x3  }
.LBB2_1:
0x17: {  	s0 =	rddreg [dreg:$0x3]  }
0x18: {  	[tilespmem:s18], [sflag:$0x2] =	stream.linear.gather [hbm4b:s0+s7], $0x80, $0x38;
	[tilespmem:$0x2900] =	vst v63  }
0x19: {  	_ =	swait.ge [sflag:s10], $0x80  }
0x1a: {  	[sflag:s10] =	ssyncset.done $0x0  }
0x1b: {  	s30 =	rddreg [dreg:$0x7];
	[sflag:s10] =	ssyncadd.s32 $0xFFFFFF80  }
0x1c: {  	[tilespmem:s7], [sflag:$0x1] =	stream.strided.gather [hbm4b:s30+s19], $0x800, s20, s19, $0x38;
	[tilespmem:$0x2900] =	vst v63  }
.Ltmp2:
0x1d: {  	_ = 	snop;
	(pc) =	sbr.rel .LBB2_2-.Ltmp2, $4  }
0x1e: {  	s31 =	rddreg [dreg:$0x8]  }
0x1f: {  	[tilespmem:s21], [sflag:$0x1] =	stream.strided.gather [hbm4b:s31+s19], $0x800, s20, s19, $0x38;
	[tilespmem:$0x2900] =	vst v63  }
0x20: {  	s29 =	simm.s32 $0x0  }
0x21: {  	[tilespmem:s22], [sflag:$0x1] =	stream.strided.gather [hbm4b:s15+s19], $0x800, s20, s19, $0x38;
	[tilespmem:$0x2900] =	vst v63  }
.LBB2_22:
0x22: {  	s0 =	sshrl.u32 s31, $0x3  }
0x23: {  	[tilespmem:$0x2880] =	vst v4;
	s31 =	sshll.u32 s30, $0xA;
	s0 =	sadd.s32 s5, s0  }
0x24: {  	[hbm4b:s0+s19] =	stream.strided.scatter [tilespmem:s24], [sflag:$0x2], $0x800, s20, s19, $0x38;
	[tilespmem:$0x2900] =	vst v63  }
0x25: {  	s0 =	sor.u32 s12, s31;
	_ =	swait.ge [sflag:s10], $0x800  }
0x26: {  	p0 =	sne.s32 s29, s11;
	s0 =	sshrl.u32 s0, $0x3;
	[sflag:s10] =	ssyncset.done $0x0  }
.Ltmp3:
0x27: {  	s0 =	sadd.s32 s8, s0;
	[sflag:s10] =	ssyncadd.s32 $0xFFFFF800;
	(pc) =	sbr.rel @!p0 .LBB2_23-.Ltmp3, $4  }
0x28: {  	[hbm4b:s0+s7] =	stream.linear.scatter [tilespmem:s25], [sflag:$0x2], $0x80, $0x38;
	[tilespmem:$0x2900] =	vst v63  }
0x29: {  	_ =	swait.ge [sflag:s10], $0x80  }
0x2a: {  	[sflag:s10] =	ssyncset.done $0x0  }
0x2b: {  	[sflag:s10] =	ssyncadd.s32 $0xFFFFFF80  }
.LBB2_2:
0x2c: {  	_ =	swait.ge [sflag:s23], $0x800  }
0x2d: {  	[sflag:s23] =	ssyncset.done $0x0  }
0x2e: {  	s0 =	sshll.u32 s29, $0x5;
	[sflag:s23] =	ssyncadd.s32 $0xFFFFF800  }
0x2f: {  	s30 =	sor.u32 s9, s0;
	_ =	swait.ge [sflag:s23], $0x800  }
0x30: {  	v4 =	vmov s30;
	[sflag:s23] =	ssyncset.done $0x0  }
0x31: {  	[sflag:s23] =	ssyncadd.s32 $0xFFFFF800  }
0x32: {  	_ =	swait.ge [sflag:s23], $0x800  }
0x33: {  	[sflag:s23] =	ssyncset.done $0x0  }
0x34: {  	[sflag:s23] =	ssyncadd.s32 $0xFFFFF800  }
0x35: {  	s14 =	simm.s32 $0x0;
	v4 =	vld.idx.msk [tilespmem:v4+s18+$0x0], $0xffff  }
0x36: {  	v5 =	vld [tilespmem:s14+$0x1040]  }
0x37: {  	v9 =	vld [tilespmem:s14+$0x40]  }
0x38: {  	v10 =	vld [tilespmem:s14+$0x840]  }
0x39: {  	v11 =	vld [tilespmem:s14+$0x830]  }
0x3a: {  	v12 =	vld [tilespmem:s14+$0x1020]  }
0x3b: {  	v13 =	vld [tilespmem:s14+$0x20]  }
0x3c: {  	v14 =	vld [tilespmem:s14+$0x30]  }
0x3d: {  	v15 =	vld [tilespmem:s14+$0x1010]  }
0x3e: {  	v8 =	vld.idx.msk [tilespmem:v4+s22+$0x0], $0xffff  }
0x3f: {  	s13 =	simm.s32 $0x0;
	v7 =	vld.idx.msk [tilespmem:v4+s21+$0x0], $0xffff  }
0x40: {  	v6 =	vld.idx.msk [tilespmem:v4+s13+$0x0], $0xffff  }
0x41: {  	v4 =	vld [tilespmem:s14+$0x1030]  }
0x42: {  	v16 =	vld [tilespmem:s14+$0x1000]  }
0x43: {  	v17 =	vld [tilespmem:s14+$0x0];
	v5 =	vsub.f32 v5, v8  }
0x44: {  	v19 =	vld [tilespmem:s14+$0x800];
	v11 =	vsub.f32 v11, v7;
	v12 =	vsub.f32 v12, v8  }
0x45: {  	v18 =	vld [tilespmem:s14+$0x810];
	v13 =	vsub.f32 v13, v6;
	v14 =	vsub.f32 v14, v6  }
0x46: {  	v20 =	vld [tilespmem:s14+$0x10];
	v4 =	vsub.f32 v4, v8;
	v15 =	vsub.f32 v15, v8  }
0x47: {  	v25 =	vimm.f32 $+Inf;
	v21 =	vld [tilespmem:s14+$0x820];
	v9 =	vsub.f32 v9, v6;
	v16 =	vsub.f32 v16, v8  }
0x48: {  	v10 =	vsub.f32 v10, v7;
	v17 =	vsub.f32 v17, v6;
	v5 =	vmul.f32 v5, v5  }
0x49: {  	v19 =	vsub.f32 v19, v7;
	v11 =	vmul.f32 v11, v11;
	v14 =	vmul.f32 v14, v14  }
0x4a: {  	v18 =	vsub.f32 v18, v7;
	v13 =	vmul.f32 v13, v13;
	v9 =	vmul.f32 v9, v9  }
0x4b: {  	v20 =	vsub.f32 v20, v6;
	v10 =	vmul.f32 v10, v10;
	v17 =	vmul.f32 v17, v17  }
0x4c: {  	v21 =	vsub.f32 v21, v7;
	v19 =	vmul.f32 v19, v19;
	v18 =	vmul.f32 v18, v18  }
0x4d: {  	v16 =	vmul.f32 v16, v16;
	v11 =	vadd.f32 v11, v14;
	v14 =	vmul.f32 v20, v20  }
0x4e: {  	v12 =	vmul.f32 v12, v12;
	v20 =	vmul.f32 v21, v21;
	v17 =	vadd.f32 v19, v17  }
0x4f: {  	v4 =	vmul.f32 v4, v4;
	v9 =	vadd.f32 v10, v9;
	v10 =	vadd.f32 v18, v14  }
0x50: {  	v14 =	vmul.f32 v15, v15;
	v13 =	vadd.f32 v20, v13;
	v15 =	vadd.f32 v16, v17  }
0x51: {  	v27 =	vimm.f32 $+Inf;
	v5 =	vadd.f32 v5, v9;
	v4 =	vadd.f32 v4, v11  }
0x52: {  	v24 =	vimm.f32 $+Inf;
	v9 =	vadd.f32 v14, v10;
	v10 =	vadd.f32 v12, v13  }
0x53: {  	v23 =	vimm.f32 $+Inf;
	v17 =	vadd.f32 $9.999999960e-13, v15;
	v5 =	vadd.f32 $9.999999960e-13, v5  }
0x54: {  	v20 =	vimm.f32 $+Inf;
	v11 =	vadd.f32 $9.999999960e-13, v9;
	v10 =	vadd.f32 $9.999999960e-13, v10  }
0x55: {  	v12 =	vmin.f32 v20, v17;
	v26 =	vmax.f32 v20, v17;
	[tilespmem:s14+$0x1840] =	vst v5;
	v18 =	vmax.f32 v20, v17  }
0x56: {  	v9 =	vadd.f32 $9.999999960e-13, v4;
	[tilespmem:s14+$0x1800] =	vst v17;
	v13 =	vmin.f32 v20, v26;
	v29 =	vmovc v26;
	v4 =	vmin.f32 v12, v11  }
0x57: {  	v12 =	vmax.f32 v12, v11;
	v19 =	vmax.f32 v13, v11;
	[tilespmem:s14+$0x1810] =	vst v11;
	v14 =	vmin.f32 v4, v10  }
0x58: {  	[tilespmem:s14+$0x1820] =	vst v10;
	v15 =	vmax.f32 v4, v10;
	v21 =	vmin.f32 v14, v9;
	v16 =	vmax.f32 v14, v9  }
0x59: {  	s31 =	simm.s32 $0x140;
	v28 =	vmovc v26;
	v22 =	vmovc v26;
	[tilespmem:s14+$0x1830] =	vst v9;
	v14 =	vmax.f32 v21, v5;
	v4 =	vmin.f32 v21, v5;
	v21 =	vimm.f32 $+Inf  }
.LBB2_3:
0x5a: {  	s0 =	sshra.s32 s31, $0x2;
	p0 =	sne.s32 s31, $0x1E00;
	s31 =	sadd.s32 $0x140, s31;
	v20 =	vmin.f32 v20, v26;
	v25 =	vmin.f32 v25, v29;
	v26 =	vmin.f32 v27, v28  }
0x5b: {  	v17 =	vmax.f32 v21, v17;
	v18 =	vmin.f32 v21, v18;
	v27 =	vld [tilespmem:s0+$0x1030];
	v21 =	vmax.f32 v25, v11  }
0x5c: {  	v17 =	vmin.f32 v24, v17;
	v24 =	vmax.f32 v26, v11;
	v29 =	vmax.f32 v18, v11;
	v28 =	vld [tilespmem:s0+$0x1040]  }
0x5d: {  	v18 =	vmin.f32 v18, v19;
	v31 =	vmax.f32 v17, v11;
	v17 =	vmin.f32 v17, v29;
	v30 =	vld [tilespmem:s0+$0x40]  }
0x5e: {  	v22 =	vmin.f32 v23, v22;
	v23 =	vmin.f32 v26, v31;
	v26 =	vmax.f32 v17, v10;
	v19 =	vld [tilespmem:s0+$0x840]  }
0x5f: {  	v11 =	vmax.f32 v22, v11;
	v31 =	vmax.f32 v18, v10;
	v26 =	vmin.f32 v23, v26;
	v29 =	vld [tilespmem:s0+$0x830]  }
0x60: {  	v11 =	vmin.f32 v20, v11;
	v20 =	vmin.f32 v22, v21;
	v21 =	vmin.f32 v17, v31;
	v32 =	vld [tilespmem:s0+$0x1020]  }
0x61: {  	v22 =	vmin.f32 v25, v24;
	v23 =	vmax.f32 v23, v10;
	v24 =	vmax.f32 v21, v9;
	v17 =	vld [tilespmem:s0+$0x20]  }
0x62: {  	v12 =	vmin.f32 v13, v12;
	v13 =	vmax.f32 v20, v10;
	v31 =	vmax.f32 v22, v10;
	v25 =	vld [tilespmem:s0+$0x30]  }
0x63: {  	v10 =	vmax.f32 v12, v10;
	v20 =	vmin.f32 v20, v31;
	v28 =	vsub.f32 v28, v8;
	v33 =	vld [tilespmem:s0+$0x1010]  }
0x64: {  	v12 =	vmin.f32 v12, v15;
	v11 =	vmin.f32 v11, v13;
	v31 =	vld [tilespmem:s0+$0x1000];
	v29 =	vsub.f32 v29, v7  }
0x65: {  	v16 =	vmin.f32 v12, v16;
	v28 =	vmul.f32 v28, v28;
	v13 =	vld [tilespmem:s0+$0x820];
	v15 =	vsub.f32 v32, v8  }
0x66: {  	v12 =	vmax.f32 v12, v9;
	v14 =	vmin.f32 v16, v14;
	v32 =	vld [tilespmem:s0+$0x0];
	v17 =	vsub.f32 v17, v6  }
0x67: {  	v27 =	vsub.f32 v27, v8;
	v35 =	vmin.f32 v26, v24;
	v34 =	vld [tilespmem:s0+$0x810];
	v25 =	vsub.f32 v25, v6  }
0x68: {  	v30 =	vsub.f32 v30, v6;
	v29 =	vmul.f32 v29, v29;
	v24 =	vld [tilespmem:s0+$0x800];
	v33 =	vsub.f32 v33, v8  }
0x69: {  	v27 =	vmul.f32 v27, v27;
	v31 =	vsub.f32 v31, v8;
	v36 =	vld [tilespmem:s0+$0x10];
	v25 =	vmul.f32 v25, v25  }
0x6a: {  	v16 =	vmax.f32 v16, v5;
	v19 =	vsub.f32 v19, v7;
	v13 =	vsub.f32 v13, v7  }
0x6b: {  	v17 =	vmul.f32 v17, v17;
	v25 =	vadd.f32 v29, v25;
	v29 =	vmul.f32 v30, v30  }
0x6c: {  	v30 =	vsub.f32 v32, v6;
	v32 =	vsub.f32 v34, v7;
	v13 =	vmul.f32 v13, v13  }
0x6d: {  	v19 =	vmul.f32 v19, v19;
	v24 =	vsub.f32 v24, v7;
	v25 =	vadd.f32 v27, v25  }
0x6e: {  	v27 =	vmul.f32 v30, v30;
	v30 =	vsub.f32 v36, v6;
	v13 =	vadd.f32 v13, v17  }
0x6f: {  	v22 =	vmin.f32 v22, v23;
	v23 =	vmax.f32 v35, v5;
	v17 =	vmul.f32 v24, v24  }
0x70: {  	v19 =	vadd.f32 v19, v29;
	v24 =	vmul.f32 v30, v30;
	v30 =	vmul.f32 v32, v32  }
0x71: {  	v29 =	vmax.f32 v22, v9;
	v17 =	vadd.f32 v17, v27;
	v27 =	vmul.f32 v31, v31  }
0x72: {  	v19 =	vadd.f32 v28, v19;
	v24 =	vadd.f32 v30, v24;
	v30 =	vmul.f32 v33, v33  }
0x73: {  	v15 =	vmul.f32 v15, v15;
	v17 =	vadd.f32 v27, v17;
	v27 =	vmax.f32 v20, v9  }
0x74: {  	v28 =	vadd.f32 $9.999999960e-13, v19;
	v24 =	vadd.f32 v30, v24;
	v27 =	vmin.f32 v11, v27  }
0x75: {  	v13 =	vadd.f32 v15, v13;
	v15 =	vmin.f32 v18, v10;
	v17 =	vadd.f32 $9.999999960e-13, v17  }
0x76: {  	v19 =	vmax.f32 v15, v9;
	v11 =	vadd.f32 $9.999999960e-13, v24;
	v24 =	vadd.f32 $9.999999960e-13, v25;
	[tilespmem:s0+$0x1840] =	vst v28  }
0x77: {  	v15 =	vmin.f32 v15, v12;
	v10 =	vadd.f32 $9.999999960e-13, v13;
	[tilespmem:s0+$0x1800] =	vst v17;
	v18 =	vmax.f32 v14, v17  }
0x78: {  	v9 =	vmax.f32 v26, v9;
	v26 =	vmax.f32 v15, v5;
	v25 =	vmin.f32 v4, v17;
	[tilespmem:s0+$0x1810] =	vst v11  }
0x79: {  	v22 =	vmin.f32 v22, v9;
	v4 =	vmax.f32 v4, v17;
	v12 =	vmax.f32 v25, v11;
	[tilespmem:s0+$0x1820] =	vst v10  }
0x7a: {  	v13 =	vmin.f32 v14, v4;
	v4 =	vmin.f32 v20, v29;
	v14 =	vmin.f32 v21, v19;
	[tilespmem:s0+$0x1830] =	vst v24  }
0x7b: {  	v20 =	vmin.f32 v25, v11;
	v21 =	vmin.f32 v15, v16;
	v9 =	vmovc v24;
	v19 =	vmax.f32 v13, v11  }
0x7c: {  	v25 =	vmin.f32 v22, v23;
	v15 =	vmax.f32 v20, v10;
	v23 =	vmax.f32 v14, v5  }
.Ltmp4:
0x7d: {  	v20 =	vmin.f32 v20, v10;
	v29 =	vmax.f32 v4, v5;
	v24 =	vmin.f32 v14, v26;
	(pc) =	sbr.rel @p0 .LBB2_3-.Ltmp4, $4  }
0x7e: {  	v16 =	vmax.f32 v20, v9;
	v30 =	vmin.f32 v20, v9;
	v20 =	vmin.f32 v27, v29  }
0x7f: {  	v26 =	vmax.f32 v22, v5;
	v27 =	vmin.f32 v35, v23;
	v5 =	vmovc v28;
	v14 =	vmax.f32 v30, v28  }
0x80: {  	v22 =	vmax.f32 v25, v17;
	v28 =	vmax.f32 v24, v17;
	v23 =	vmin.f32 v4, v26  }
0x81: {  	v29 =	vmax.f32 v27, v17;
	v4 =	vmin.f32 v30, v5;
	v26 =	vmax.f32 v23, v17  }
0x82: {  	v6 =	vmin.f32 v20, v26;
	v7 =	vmin.f32 v25, v29  }
0x83: {  	v8 =	vmin.f32 v27, v28;
	v17 =	vmax.f32 v21, v17;
	v18 =	vmin.f32 v21, v18  }
0x84: {  	v58 =	vmin.f32 v23, v22;
	v12 =	vmin.f32 v13, v12;
	v55 =	vmax.f32 v7, v11  }
0x85: {  	v17 =	vmin.f32 v24, v17;
	v21 =	vmax.f32 v18, v11;
	v56 =	vmax.f32 v8, v11  }
0x86: {  	v18 =	vmin.f32 v18, v19;
	v57 =	vmax.f32 v17, v11;
	v17 =	vmin.f32 v17, v21  }
0x87: {  	v11 =	vmax.f32 v58, v11;
	v60 =	vmax.f32 v18, v10;
	v7 =	vmin.f32 v7, v56  }
0x88: {  	v8 =	vmin.f32 v8, v57;
	v59 =	vmax.f32 v17, v10;
	v6 =	vmin.f32 v6, v11  }
0x89: {  	v11 =	vmin.f32 v58, v55;
	v17 =	vmin.f32 v17, v60;
	v13 =	vmax.f32 v7, v10  }
0x8a: {  	v19 =	vmin.f32 v8, v59;
	v8 =	vmax.f32 v8, v10;
	v61 =	vmax.f32 v17, v9  }
0x8b: {  	v21 =	vmax.f32 v11, v10;
	v11 =	vmin.f32 v11, v13;
	v13 =	vmin.f32 v12, v15  }
0x8c: {  	v10 =	vmax.f32 v12, v10;
	v12 =	vmin.f32 v6, v21;
	v15 =	vmin.f32 v13, v16  }
0x8d: {  	v13 =	vmax.f32 v13, v9;
	v7 =	vmin.f32 v7, v8;
	v62 =	vmax.f32 v11, v9  }
0x8e: {  	v10 =	vmin.f32 v18, v10;
	v6 =	vmin.f32 v15, v14;
	v14 =	vmin.f32 v19, v61  }
0x8f: {  	v15 =	vmax.f32 v15, v5;
	v16 =	vmax.f32 v7, v9;
	v18 =	vmin.f32 v12, v62  }
0x90: {  	s0 =	simm.s32 $0x0;
	v12 =	vmax.f32 v10, v9;
	v10 =	vmin.f32 v10, v13;
	v9 =	vmax.f32 v19, v9  }
0x91: {  	s29 =	sadd.s32 $0x1, s29;
	v19 =	vmov s0;
	v8 =	vmax.f32 v14, v5;
	v13 =	vmax.f32 v10, v5  }
0x92: {  	p0 =	sge.u32 s29, s11;
	v63 =	vmin.f32 v7, v9;
	v11 =	vmin.f32 v11, v16;
	v7 =	vsub.s32 $0x1E, v19  }
0x93: {  	s0 =	sshll.u32 @!p0 s30, $0xB;
	v12 =	vmin.f32 v17, v12;
	v9 =	vmin.f32 v10, v15;
	v10 =	vshll.u32 v0, v7  }
0x94: {  	s0 =	sand.u32 @!p0 $0x7FFFC000, s0;
	v7 =	vmin.f32 v63, v8;
	v15 =	vmax.f32 v12, v5;
	v16 =	vbroadcast v10, $0x0  }
0x95: {  	s0 =	sadd.s32 @!p0 s16, s0;
	v8 =	vmax.f32 v11, v5;
	v10 =	vmin.f32 v12, v13;
	v12 =	vimm.s32 $0x0  }
0x96: {  	s6 =	simm.s32 @!p0 $0x80;
	v17 =	vmax.f32 v63, v5;
	s0 =	sshrl.u32 @!p0 s0, $0x3;
	v8 =	vmin.f32 v18, v8;
	v13 =	vor.u32 v12, v16  }
0x97: {  	s13 =	simm.s32 @!p0 $0x400;
	s14 =	simm.s32 @!p0 $0x0;
	v5 =	vmin.f32 v14, v15;
	s4 =	sadd.s32 @!p0 s1, s0;
	vm0 =	vgt.s32 v13, v4;
	vm1 =	vgt.s32 v13, v6  }
0x98: {  	[tilespmem:s14], [sflag:$0x1] =	stream.strided.gather @!p0 [hbm4b:s4+s6], $0x800, s13, s6, $0x38;
	vm10 =	vgt.s32 v13, v9;
	v14 =	vmpcnt.ones.xlane vm0;
	v15 =	vmpcnt.ones.xlane vm1;
	[tilespmem:$0x2900] =	vst v63  }
0x99: {  	v11 =	vmin.f32 v11, v17;
	s4 =	sadd.s32 @!p0 s2, s0;
	s14 =	simm.s32 @!p0 $0x800;
	vm11 =	vgt.s32 v13, v10;
	v16 =	vmpcnt.ones.xlane vm10  }
0x9a: {  	vm12 =	vgt.s32 v13, v5;
	[tilespmem:s14], [sflag:$0x1] =	stream.strided.gather @!p0 [hbm4b:s4+s6], $0x800, s13, s6, $0x38;
	v14 =	vadd.s32 v14, v15;
	v15 =	vmpcnt.ones.xlane vm11;
	[tilespmem:$0x2900] =	vst v63  }
0x9b: {  	s30 =	sshrl.u32 s30, $0x3;
	s0 =	sadd.s32 @!p0 s3, s0;
	vm13 =	vgt.s32 v13, v7;
	s4 =	simm.s32 @!p0 $0x1000;
	v14 =	vadd.s32 v16, v14;
	v16 =	vmpcnt.ones.xlane vm12  }
0x9c: {  	vm14 =	vgt.s32 v13, v11;
	[tilespmem:s4], [sflag:$0x1] =	stream.strided.gather @!p0 [hbm4b:s0+s6], $0x800, s13, s6, $0x38;
	v14 =	vadd.s32 v15, v14;
	v15 =	vmpcnt.ones.xlane vm13;
	[tilespmem:$0x2900] =	vst v63  }
0x9d: {  	vm15 =	vgt.s32 v13, v8;
	s14 =	simm.s32 $0x1;
	s13 =	sshll.u32 s30, $0xE;
	v17 =	vadd.s32 v16, v14;
	v14 =	vmpcnt.ones.xlane vm14  }
0x9e: {  	s0 =	simm.s32 $0x2;
	s31 =	sor.u32 s12, s13;
	v16 =	vmov s14;
	v17 =	vadd.s32 v15, v17;
	v15 =	vmpcnt.ones.xlane vm15  }
.LBB2_5:
0x9f: {  	p0 =	sne.s32 s0, $0x1E;
	v16 =	vsub.s32 $0x1E, v16;
	v14 =	vadd.s32 v14, v17  }
0xa0: {  	v16 =	vshll.u32 v0, v16;
	v14 =	vadd.s32 v15, v14  }
0xa1: {  	v15 =	vbroadcast v16, $0x0;
	vm0 =	vgt.s32 v14, $0x31  }
0xa2: {  	v12 =	vsel vm0, v12, v13  }
0xa3: {  	v13 =	vor.u32 v12, v15  }
0xa4: {  	vm0 =	vgt.s32 v13, v4;
	vm1 =	vgt.s32 v13, v6  }
0xa5: {  	v14 =	vmpcnt.ones.xlane vm0;
	v15 =	vmpcnt.ones.xlane vm1;
	vm0 =	vgt.s32 v13, v9  }
0xa6: {  	v16 =	vmpcnt.ones.xlane vm0;
	vm0 =	vgt.s32 v13, v10  }
.Ltmp5:
0xa7: {  	v14 =	vadd.s32 v14, v15;
	v15 =	vmpcnt.ones.xlane vm0;
	vm0 =	vgt.s32 v13, v5;
	(pc) =	sbr.rel @p0 .LBB2_5-.Ltmp5, $4  }
0xa8: {  	v14 =	vadd.s32 v16, v14;
	v16 =	vmpcnt.ones.xlane vm0;
	vm0 =	vgt.s32 v13, v7  }
0xa9: {  	v14 =	vadd.s32 v15, v14;
	v15 =	vmpcnt.ones.xlane vm0;
	vm0 =	vgt.s32 v13, v11  }
0xaa: {  	v17 =	vadd.s32 v16, v14;
	v14 =	vmpcnt.ones.xlane vm0;
	vm0 =	vgt.s32 v13, v8  }
0xab: {  	v16 =	vmov s0;
	s0 =	sadd.s32 $0x1, s0;
	v17 =	vadd.s32 v15, v17;
	v15 =	vmpcnt.ones.xlane vm0  }
0xac: {  	v16 =	vsub.s32 $0x1E, v16;
	v14 =	vadd.s32 v14, v17  }
0xad: {  	v16 =	vshll.u32 v0, v16;
	v14 =	vadd.s32 v15, v14  }
0xae: {  	v15 =	vbroadcast v16, $0x0;
	vm0 =	vgt.s32 v14, $0x31  }
0xaf: {  	v12 =	vsel vm0, v12, v13  }
0xb0: {  	v13 =	vor.u32 v12, v15  }
0xb1: {  	vm0 =	vgt.s32 v13, v4;
	vm1 =	vgt.s32 v13, v6  }
0xb2: {  	v4 =	vmpcnt.ones.xlane vm0;
	v6 =	vmpcnt.ones.xlane vm1;
	vm0 =	vgt.s32 v13, v9  }
0xb3: {  	v9 =	vmpcnt.ones.xlane vm0;
	vm0 =	vgt.s32 v13, v10  }
0xb4: {  	v4 =	vadd.s32 v4, v6;
	v6 =	vmpcnt.ones.xlane vm0;
	vm0 =	vgt.s32 v13, v5  }
0xb5: {  	v4 =	vadd.s32 v9, v4;
	v5 =	vmpcnt.ones.xlane vm0;
	vm0 =	vgt.s32 v13, v7  }
0xb6: {  	s0 =	simm.s32 $0x0;
	v4 =	vadd.s32 v6, v4;
	v6 =	vmpcnt.ones.xlane vm0;
	vm0 =	vgt.s32 v13, v11  }
0xb7: {  	v7 =	vld [tilespmem:s0+$0x1840];
	v4 =	vadd.s32 v5, v4;
	v5 =	vmpcnt.ones.xlane vm0;
	vm0 =	vgt.s32 v13, v8  }
0xb8: {  	v11 =	vld [tilespmem:s0+$0x1820];
	v4 =	vadd.s32 v6, v4;
	v6 =	vmpcnt.ones.xlane vm0  }
0xb9: {  	v8 =	vld [tilespmem:s0+$0x1830];
	v4 =	vadd.s32 v5, v4  }
0xba: {  	v5 =	vld [tilespmem:s0+$0x1810];
	v4 =	vadd.s32 v6, v4  }
0xbb: {  	v6 =	vld [tilespmem:s0+$0x1800];
	vm0 =	vgt.s32 v4, $0x31  }
0xbc: {  	v4 =	vsel vm0, v12, v13  }
0xbd: {  	v13 =	vimm.s32 $0x0;
	vm1 =	vlt.f32 v7, v4;
	vm0 =	vle.f32 v7, v4  }
0xbe: {  	vm2 =	vlt.f32 v11, v4;
	vm3 =	vlt.f32 v8, v4;
	vm4 =	vle.f32 v8, v4  }
0xbf: {  	s14 =	simm.s32 $0x50;
	vm6 =	vlt.f32 v5, v4;
	v7 =	vmpcnt.ones.xlane vm1;
	v12 =	vmpcnt.ones.xlane vm2  }
0xc0: {  	v9 =	vld [tilespmem:s14+$0x1840];
	v10 =	vmpcnt.ones.xlane vm3;
	vm5 =	vlt.f32 v6, v4;
	vm1 =	vle.f32 v6, v4  }
0xc1: {  	v8 =	vld [tilespmem:s14+$0x1830];
	v14 =	vmpcnt.ones.xlane vm5;
	v15 =	vmpcnt.ones.xlane vm1;
	vm1 =	vle.f32 v5, v4  }
0xc2: {  	v16 =	vmpcnt.ones.xlane vm6;
	v6 =	vld [tilespmem:s14+$0x1810];
	v17 =	vmpcnt.ones.xlane vm1;
	vm1 =	vle.f32 v11, v4  }
0xc3: {  	v5 =	vld [tilespmem:s14+$0x1820];
	v14 =	vadd.s32 v13, v14;
	v18 =	vadd.s32 v13, v15;
	v13 =	vmpcnt.ones.xlane vm1  }
0xc4: {  	s0 =	simm.s32 $0x280;
	v11 =	vld [tilespmem:s14+$0x1800];
	v15 =	vadd.s32 v16, v14;
	v16 =	vadd.s32 v17, v18;
	v14 =	vmpcnt.ones.xlane vm4  }
.LBB2_7:
0xc5: {  	p0 =	sne.s32 s0, $0x1E00;
	v12 =	vadd.s32 v12, v15;
	v13 =	vadd.s32 v13, v16;
	v15 =	vmpcnt.ones.xlane vm0  }
0xc6: {  	vm1 =	vlt.f32 v9, v4;
	v10 =	vadd.s32 v10, v12;
	v12 =	vadd.s32 v14, v13  }
0xc7: {  	vm0 =	vle.f32 v9, v4;
	v13 =	vadd.s32 v7, v10;
	v14 =	vadd.s32 v15, v12  }
0xc8: {  	vm3 =	vlt.f32 v8, v4;
	vm4 =	vle.f32 v8, v4;
	vm2 =	vlt.f32 v5, v4  }
0xc9: {  	s4 =	sshra.s32 s0, $0x2;
	v7 =	vmpcnt.ones.xlane vm1;
	vm6 =	vlt.f32 v6, v4;
	vm5 =	vlt.f32 v11, v4  }
.Ltmp6:
0xca: {  	v10 =	vmpcnt.ones.xlane vm3;
	v12 =	vmpcnt.ones.xlane vm2;
	vm1 =	vle.f32 v11, v4;
	v9 =	vld [tilespmem:s4+$0x1840];
	(pc) =	sbr.rel @p0 .LBB2_7-.Ltmp6, $4  }
0xcb: {  	v11 =	vmpcnt.ones.xlane vm5;
	v15 =	vmpcnt.ones.xlane vm1;
	vm1 =	vle.f32 v6, v4;
	v8 =	vld [tilespmem:s4+$0x1830]  }
0xcc: {  	v16 =	vmpcnt.ones.xlane vm6;
	v17 =	vmpcnt.ones.xlane vm1;
	vm1 =	vle.f32 v5, v4;
	v5 =	vld [tilespmem:s4+$0x1820]  }
0xcd: {  	v18 =	vadd.s32 v13, v11;
	v14 =	vadd.s32 v14, v15;
	v13 =	vmpcnt.ones.xlane vm1;
	v6 =	vld [tilespmem:s4+$0x1810]  }
0xce: {  	s0 =	sadd.s32 $0x140, s0;
	v15 =	vadd.s32 v16, v18;
	v16 =	vadd.s32 v17, v14;
	v14 =	vmpcnt.ones.xlane vm4;
	v11 =	vld [tilespmem:s4+$0x1800]  }
0xcf: {  	v12 =	vadd.s32 v12, v15  }
0xd0: {  	v13 =	vadd.s32 v13, v16;
	v53 =	vmpcnt.ones.xlane vm0;
	vm12 =	vlt.f32 v9, v4  }
0xd1: {  	vm1 =	vle.f32 v9, v4;
	v10 =	vadd.s32 v10, v12;
	v54 =	vadd.s32 v14, v13  }
0xd2: {  	vm3 =	vlt.f32 v8, v4;
	vm4 =	vle.f32 v8, v4;
	v56 =	vmpcnt.ones.xlane vm12  }
0xd3: {  	v7 =	vadd.s32 v7, v10;
	v55 =	vadd.s32 v53, v54;
	vm2 =	vlt.f32 v5, v4  }
0xd4: {  	v58 =	vmpcnt.ones.xlane vm3;
	vm15 =	vle.f32 v5, v4;
	vm5 =	vlt.f32 v11, v4  }
0xd5: {  	vm6 =	vlt.f32 v6, v4;
	vm13 =	vle.f32 v11, v4;
	v59 =	vmpcnt.ones.xlane vm5  }
0xd6: {  	vm14 =	vle.f32 v6, v4;
	v6 =	vmpcnt.ones.xlane vm6;
	v60 =	vmpcnt.ones.xlane vm13  }
0xd7: {  	v57 =	vmpcnt.ones.xlane vm2;
	v61 =	vmpcnt.ones.xlane vm14;
	v5 =	vadd.s32 v7, v59  }
0xd8: {  	v62 =	vmpcnt.ones.xlane vm15;
	v7 =	vadd.s32 v55, v60;
	v5 =	vadd.s32 v6, v5  }
0xd9: {  	v6 =	vadd.s32 v61, v7;
	v7 =	vmpcnt.ones.xlane vm4;
	v5 =	vadd.s32 v57, v5  }
0xda: {  	v63 =	vmpcnt.ones.xlane vm1;
	v6 =	vadd.s32 v62, v6;
	v5 =	vadd.s32 v58, v5  }
0xdb: {  	v6 =	vadd.s32 v7, v6;
	v5 =	vadd.s32 v56, v5  }
0xdc: {  	v6 =	vadd.s32 v63, v6;
	(v2sf) =	vpush v5, $0x0  }
0xdd: {  	(v2sf) =	vpush v6, $0x0;
	_ =	sdelay $0xd  }
0xde: {  	s0 =	spop (v2sf)  }
0xdf: {  	p0 =	sgt.s32 s0, $0x31;
	s0 =	spop (v2sf)  }
0xe0: {  	p1 =	sgt.s32 @!p0 s0, $0x31  }
0xe1: {  	p1 =	por p0, !p1  }
.Ltmp7:
0xe2: {  	_ = 	snop;
	(pc) =	sbr.rel @!p1 .LBB2_22-.Ltmp7, $1  }
0xe3: {  	_ =	sdelay $0x3  }
0xe4: {  	s4 =	simm.s32 $0x0  }
0xe5: {  	s4 =	simm.s32 @p0 $0x0  }
0xe6: {  	p0 =	sne.s32 s4, $0x1E00  }
.Ltmp8:
0xe7: {  	_ = 	snop;
	(pc) =	sbr.rel @!p0 .LBB2_11-.Ltmp8, $2  }
0xe8: {  	_ =	sdelay $0x2  }
0xe9: {  	s0 =	sshra.s32 s4, $0x2;
	s4 =	sadd.s32 $0x200, s4  }
.LBB2_10:
0xea: {  	p0 =	sne.s32 s4, $0x1E00;
	[tilespmem:s0+$0x2070] =	vst v1  }
0xeb: {  	[tilespmem:s0+$0x2000] =	vst v1  }
0xec: {  	[tilespmem:s0+$0x2010] =	vst v1  }
.Ltmp9:
0xed: {  	[tilespmem:s0+$0x2020] =	vst v1;
	(pc) =	sbr.rel @p0 .LBB2_10-.Ltmp9, $4  }
0xee: {  	[tilespmem:s0+$0x2030] =	vst v1  }
0xef: {  	[tilespmem:s0+$0x2040] =	vst v1  }
0xf0: {  	[tilespmem:s0+$0x2050] =	vst v1  }
0xf1: {  	[tilespmem:s0+$0x2060] =	vst v1;
	s0 =	sshra.s32 s4, $0x2;
	s4 =	sadd.s32 $0x200, s4  }
.LBB2_11:
0xf2: {  	[tilespmem:s0+$0x2070] =	vst v1  }
0xf3: {  	[tilespmem:s0+$0x2000] =	vst v1  }
0xf4: {  	[tilespmem:s0+$0x2010] =	vst v1  }
0xf5: {  	[tilespmem:s0+$0x2020] =	vst v1  }
0xf6: {  	[tilespmem:s0+$0x2030] =	vst v1  }
0xf7: {  	[tilespmem:s0+$0x2040] =	vst v1  }
0xf8: {  	[tilespmem:s0+$0x2050] =	vst v1  }
0xf9: {  	[tilespmem:s0+$0x2060] =	vst v1;
	s14 =	simm.s32 $0x0  }
0xfa: {  	v6 =	vld [tilespmem:s14+$0x1800];
	_ =	sdelay $0x1  }
0xfb: {  	v7 =	vld [tilespmem:s14+$0x1810]  }
0xfc: {  	v8 =	vld [tilespmem:s14+$0x1820];
	_ =	sdelay $0x1  }
0xfd: {  	v5 =	vimm.s32 $0x0;
	v9 =	vld [tilespmem:s14+$0x1830];
	vm0 =	vle.f32 v6, v4  }
0xfe: {  	v11 =	vadd.s32 v3, v5;
	v10 =	vsel vm0, $0x1, v2  }
0xff: {  	vm1 =	vle.f32 v7, v4;
	v10 =	vadd.s32 v10, v5;
	v5 =	vld [tilespmem:s14+$0x1840]  }
0x100: {  	vm2 =	vle.f32 v8, v4;
	v12 =	vsel vm1, $0x1, v2  }
0x101: {  	v13 =	vsel vm2, $0x1, v2;
	v12 =	vadd.s32 v12, v10;
	v10 =	vadd.s32 v3, v10  }
0x102: {  	vm3 =	vle.f32 v9, v4;
	v13 =	vadd.s32 v13, v12;
	v12 =	vadd.s32 v3, v12  }
0x103: {  	v14 =	vadd.s32 v3, v13;
	[tilespmem:v11+s26+$0x0] =	vst.idx.msk vm0, v6;
	v6 =	vsel vm3, $0x1, v2  }
0x104: {  	vm0 =	vle.f32 v5, v4;
	v63 =	vadd.s32 v6, v13  }
0x105: {  	v6 =	vadd.s32 v3, v63  }
0x106: {  	[tilespmem:v10+s26+$0x0] =	vst.idx.msk vm1, v7  }
0x107: {  	v7 =	vsel vm0, $0x1, v2;
	[tilespmem:v12+s26+$0x0] =	vst.idx.msk vm2, v8  }
0x108: {  	s0 =	simm.s32 $0x140;
	v7 =	vadd.s32 v7, v63;
	[tilespmem:v14+s26+$0x0] =	vst.idx.msk vm3, v9  }
.LBB2_12:
0x109: {  	p0 =	sne.s32 s0, $0x1E00;
	s4 =	smov.u32 s0;
	s0 =	sadd.s32 $0x140, s0  }
0x10a: {  	s4 =	sshra.s32 s4, $0x2;
	[tilespmem:v6+s26+$0x0] =	vst.idx.msk vm0, v5  }
0x10b: {  	v6 =	vld [tilespmem:s4+$0x1800]  }
0x10c: {  	v8 =	vld [tilespmem:s4+$0x1810]  }
0x10d: {  	v9 =	vld [tilespmem:s4+$0x1820]  }
0x10e: {  	v10 =	vld [tilespmem:s4+$0x1830];
	_ =	sdelay $0x1  }
0x10f: {  	v5 =	vld [tilespmem:s4+$0x1840];
	vm1 =	vle.f32 v6, v4  }
0x110: {  	v12 =	vadd.s32 v3, v7;
	vm2 =	vle.f32 v8, v4;
	v11 =	vsel vm1, $0x1, v2  }
0x111: {  	vm3 =	vle.f32 v9, v4;
	v13 =	vsel vm2, $0x1, v2;
	v7 =	vadd.s32 v11, v7  }
0x112: {  	v11 =	vsel vm3, $0x1, v2;
	v13 =	vadd.s32 v13, v7;
	v14 =	vadd.s32 v3, v7  }
0x113: {  	vm4 =	vle.f32 v10, v4;
	v7 =	vadd.s32 v11, v13;
	v11 =	vadd.s32 v3, v13  }
0x114: {  	v13 =	vsel vm4, $0x1, v2;
	vm0 =	vle.f32 v5, v4;
	v15 =	vadd.s32 v3, v7  }
.Ltmp10:
0x115: {  	v7 =	vadd.s32 v13, v7;
	v16 =	vsel vm0, $0x1, v2;
	[tilespmem:v12+s26+$0x0] =	vst.idx.msk vm1, v6;
	(pc) =	sbr.rel @p0 .LBB2_12-.Ltmp10, $4  }
0x116: {  	v6 =	vadd.s32 v3, v7;
	v7 =	vadd.s32 v16, v7  }
0x117: {  	[tilespmem:v14+s26+$0x0] =	vst.idx.msk vm2, v8  }
0x118: {  	[tilespmem:v11+s26+$0x0] =	vst.idx.msk vm3, v9  }
0x119: {  	[tilespmem:v15+s26+$0x0] =	vst.idx.msk vm4, v10  }
0x11a: {  	v4 =	vxor.u32 $0x80000000, v7  }
0x11b: {  	(xrf0) =	vmax.scan.msk.u32 $0xffff, v4;
	_ =	sdelay $0x5  }
0x11c: {  	v4, _, _ =	vpop (xrf0)  }
0x11d: {  	(v2sf) =	vpush v4, $0xF;
	_ =	sdelay $0xe  }
0x11e: {  	s0 =	spop (v2sf)  }
0x11f: {  	s4 =	sadd.s32 $0x80000001, s0;
	p0 =	slt.s32 s0, $0xFFFFFFFF;
	s0 =	simm.s32 $0x1  }
0x120: {  	s0 =	simm.s32 @!p0 $0x0;
	s6 =	sshra.s32 s4, $0x1F  }
0x121: {  	s13 =	sand.u32 $0x1, s4;
	s0 =	sadd.s32 s0, s6  }
0x122: {  	p1 =	seq.s32 s13, $0x1;
	p6 =	sne.s32 s0, $0x1  }
.Ltmp11:
0x123: {  	s14 =	sshrl.u32 s4, $0x1F;
	p0 =	por !p6, !p1;
	(pc) =	sbr.rel .LBB2_14-.Ltmp11, $4  }
0x124: {  	s0 =	sadd.s32 s14, s4;
	s4 =	simm.s32 $0x1;
	p0 =	por !p0, !p0  }
0x125: {  	s0 =	sshra.s32 s0, $0x1;
	s4 =	simm.s32 @!p0 $0x0  }
0x126: {  	s0 =	ssub.s32 s0, s4  }
0x127: {  	[tilespmem:v6+s26+$0x0] =	vst.idx.msk vm0, v5;
	v5 =	vimm.s32 $0x0;
	v6 =	vimm.s32 $0x0;
	s6 =	simm.s32 $0x0;
	s4 =	simm.s32 $0x0;
	p0 =	slt.s32 s0, $0x1  }
.LBB2_16:
0x128: {  	v12 =	vimm.s32 $0x0  }
.LBB2_20:
0x129: {  	_ =	sdelay $0x3  }
0x12a: {  	v8 =	vld.idx.msk [tilespmem:v9+s26+$0x0], $0xffff  }
0x12b: {  	v7 =	vld.idx.msk [tilespmem:v7+s26+$0x0], $0xffff  }
0x12c: {  	vm0 =	vgt.s32 @p1 v4, v10  }
0x12d: {  	v9 =	vmpcnt.ones.xlane @p1 vm0;
	vm0 =	vgt.s32 @p1 v4, v11  }
0x12e: {  	v10 =	vmpcnt.ones.xlane @p1 vm0  }
0x12f: {  	v9 =	vadd.s32 @p1 v12, v9;
	vm13 =	vgt.s32 v4, v8  }
0x130: {  	v8 =	vadd.s32 @p1 v10, v9;
	vm14 =	vgt.s32 v4, v7;
	v62 =	vmpcnt.ones.xlane vm13  }
0x131: {  	v7 =	vpsel p1, v8, v5;
	v63 =	vmpcnt.ones.xlane vm14  }
0x132: {  	v7 =	vadd.s32 v7, v62  }
0x133: {  	v7 =	vadd.s32 v63, v7  }
0x134: {  	vm15 =	vgt.s32 v7, $0x31  }
0x135: {  	v4 =	vsel vm15, v6, v4  }
.LBB2_21:
0x136: {  	s4 =	sadd.s32 $0x1, s4  }
0x137: {  	p1 =	sne.s32 s4, $0x1F  }
.Ltmp12:
0x138: {  	_ = 	snop;
	(pc) =	sbr.rel @!p1 .LBB2_22-.Ltmp12, $2  }
0x139: {  	_ =	sdelay $0x2  }
0x13a: {  	v6 =	vmov v4  }
.LBB2_14:
0x13b: {  	v4 =	vmov s4  }
.Ltmp13:
0x13c: {  	v4 =	vsub.s32 $0x1E, v4;
	(pc) =	sbr.rel @p0 .LBB2_21-.Ltmp13, $3  }
0x13d: {  	v4 =	vshll.u32 v0, v4  }
0x13e: {  	v4 =	vbroadcast v4, $0x0;
	_ =	sdelay $0x1  }
0x13f: {  	v4 =	vor.u32 v6, v4  }
0x140: {  	p2 =	sne.s32 s0, $0x1  }
.Ltmp14:
0x141: {  	_ = 	snop;
	(pc) =	sbr.rel @!p2 .LBB2_16-.Ltmp14, $4  }
0x142: {  	_ = 	snop  }
0x143: {  	v7 =	vmov s6;
	v9 =	vadd.s32 s6, v3  }
0x144: {  	v8 =	vor.u32 $0x1, v3;
	v9 =	vand.u32 $0xFFFFFF80, v9;
	v7 =	vand.u32 $0x7E, v7  }
0x145: {  	s13 =	sadd.s32 $0xFFFFFFFF, s0;
	s14 =	sadd.s32 $0x2, s6;
	p1 =	por $0x0, $0x0;
	v9 =	vor.u32 v7, v9;
	v7 =	vadd.s32 s6, v8  }
0x146: {  	_ =	sdelay $0x2  }
0x147: {  	v11 =	vmov s14;
	v12 =	vadd.s32 s14, v3;
	p2 =	sne.s32 s13, $0x1  }
.Ltmp15:
0x148: {  	v10 =	vld.idx.msk [tilespmem:v9+s26+$0x0], $0xffff;
	v9 =	vand.u32 $0xFFFFFF80, v12;
	v12 =	vand.u32 $0x7E, v11;
	(pc) =	sbr.rel @!p2 .LBB2_18-.Ltmp15, $3  }
0x149: {  	v9 =	vor.u32 v12, v9  }
0x14a: {  	v11 =	vld.idx.msk [tilespmem:v7+s26+$0x0], $0xffff;
	v7 =	vadd.s32 s14, v8;
	_ =	sdelay $0x1  }
0x14b: {  	s13 =	sadd.s32 $0xFFFFFFFF, s13;
	p1 =	por $0x1, $0x1;
	s14 =	sadd.s32 $0x2, s14;
	v12 =	vimm.s32 $0x0  }
.LBB2_19:
0x14c: {  	v13 =	vmov s14;
	v14 =	vadd.s32 s14, v3;
	p2 =	sne.s32 s13, $0x1;
	s13 =	sadd.s32 $0xFFFFFFFF, s13  }
.Ltmp16:
0x14d: {  	vm0 =	vgt.s32 v4, v10;
	v14 =	vand.u32 $0xFFFFFF80, v14;
	v13 =	vand.u32 $0x7E, v13;
	v10 =	vld.idx.msk [tilespmem:v9+s26+$0x0], $0xffff;
	(pc) =	sbr.rel @p2 .LBB2_19-.Ltmp16, $4  }
0x14e: {  	v9 =	vor.u32 v13, v14;
	v13 =	vmpcnt.ones.xlane vm0;
	vm0 =	vgt.s32 v4, v11;
	v11 =	vld.idx.msk [tilespmem:v7+s26+$0x0], $0xffff  }
0x14f: {  	v7 =	vadd.s32 s14, v8;
	v14 =	vmpcnt.ones.xlane vm0  }
0x150: {  	v12 =	vadd.s32 v12, v13  }
0x151: {  	s14 =	sadd.s32 $0x2, s14;
	v12 =	vadd.s32 v14, v12  }
.Ltmp17:
0x152: {  	_ = 	snop;
	(pc) =	sbr.rel .LBB2_20-.Ltmp17, $1  }
0x153: {  	_ =	sdelay $0x3  }
.LBB2_18:
.Ltmp18:
0x154: {  	(pc) =	sbr.rel .LBB2_20-.Ltmp18, $2  }
0x155: {  	_ =	sdelay $0x2  }
0x156: {  	v12 =	vimm.s32 $0x0  }
.LBB2_24:
0x157: {  	_ =	sfence.sel $0x180000  }
0x158: {  	[bflag:$0x0] =	sbarrier.arrive $0xFFFF  }
0x159: {  	_ =	strace $0x90000047  }
0x15a: {  	s0 =	stileid.u32;
	[bflag:$0x2] =	sbarrier.arrive $0xFFFF  }
0x15b: {  	p0 =	sne.s32 s0, $0x0;
	s0 =	rddreg [dreg:$0x6]  }
0x15c: {  	s0 =	sadd.s32 @!p0 $0x100000, s0  }
0x15d: {  	[sflag:s0] =	ssyncadd.tile.s32 @!p0 $0x1;
	_ =	shalt  }
.Lfunc_end2:
_tile_overlayer_lowered:
.L_overlay_start_2:
0x15e: {  	(tag) =	ssettag $0x2  }
0x15f: {  	s0 =	rddreg [dreg:$0x0];
	s2 =	stileid.u32  }
0x160: {  	s1 =	rddreg [dreg:$0x1];
	p0 =	sne.s32 s2, $0x0  }
0x161: {  	s3 =	rddreg [dreg:$0x2];
	[bflag:$0x3] =	sbarrier.arrive $0xFFFF;
	s2 =	simm.s32 @!p0 $0x1C02  }
0x162: {  	[timem:s3], [sflag:s2] =	dma.local @!p0 [hbm:s0], s1  }
0x163: {  	s0 =	simm.s32 @!p0 $0x2  }
0x164: {  	_ =	swait.ge @!p0 [sflag:s0], s1  }
0x165: {  	s1 =	ssub.s32 @!p0 $0x0, s1;
	[sflag:s0] =	ssyncset.done @!p0 $0x0  }
0x166: {  	[sflag:s0] =	ssyncadd.s32 @!p0 s1  }
0x167: {  	[bflag:$0x3] =	sbarrier.arrive $0xFFFF  }
0x168: {  	_ =	shalt  }

</sc_bundles>
